<compile_context>
chip_gen: v7x
topology: tpu7x:2x2x1
jax: 0.10.2.dev20260603
libtpu: 0.0.44.dev20260713+nightly
codegen_flags: <defaults>
</compile_context>

<pallas_src>
import functools

import jax
import jax.numpy as jnp
from jax import lax
from jax.experimental import pallas as pl
from jax.experimental.pallas import tpu as pltpu
from jax.experimental.pallas import tpu_sc as plsc

VOCAB = 1000000
EMBED_DIM = 64
BATCH = 16384
HIST = 50

NC, NS = 2, 16
NW = NC * NS
B_PER_W = BATCH // NW
CB = 8
NCHUNK = B_PER_W // CB
NBUF = 3


@functools.partial(
    pl.kernel,
    mesh=plsc.VectorSubcoreMesh(core_axis_name="c", subcore_axis_name="s"),
    out_type=jax.ShapeDtypeStruct((BATCH, HIST, EMBED_DIM), jnp.float32),
    scratch_types=[
        pltpu.VMEM((B_PER_W, HIST), jnp.int32),
        pltpu.VMEM((CB, HIST, EMBED_DIM), jnp.float32),
        pltpu.VMEM((CB, HIST, EMBED_DIM), jnp.float32),
        pltpu.VMEM((CB, HIST, EMBED_DIM), jnp.float32),
        pltpu.SemaphoreType.DMA,
        pltpu.SemaphoreType.DMA,
        pltpu.SemaphoreType.DMA,
        pltpu.SemaphoreType.DMA,
        pltpu.SemaphoreType.DMA,
        pltpu.SemaphoreType.DMA,
    ],
    compiler_params=pltpu.CompilerParams(use_tc_tiling_on_sc=False),
)
def _gather_kernel(x_hbm, table_hbm, out_hbm, idx_v,
                   rows0, rows1, rows2, g0, g1, g2, s0, s1, s2):
    rows = (rows0, rows1, rows2)
    gsem = (g0, g1, g2)
    ssem = (s0, s1, s2)
    wid = lax.axis_index("s") * NC + lax.axis_index("c")
    bbase = wid * B_PER_W

    pltpu.sync_copy(x_hbm.at[pl.ds(bbase, B_PER_W)], idx_v)

    def fire(b, c):
        for t in range(CB):
            pltpu.async_copy(
                table_hbm.at[idx_v.at[c * CB + t]],
                rows[b].at[t],
                gsem[b],
            )

    def drain_store(b, c):
        pltpu.make_async_copy(
            out_hbm.at[pl.ds(bbase, CB)], rows[b], gsem[b]
        ).wait()
        pltpu.async_copy(rows[b], out_hbm.at[pl.ds(bbase + c * CB, CB)],
                         ssem[b])

    def wait_store(b):
        pltpu.make_async_copy(
            rows[b], out_hbm.at[pl.ds(bbase, CB)], ssem[b]
        ).wait()

    fire(0, 0)
    fire(1, 1)
    drain_store(0, 0)
    fire(2, 2)
    drain_store(1, 1)
    wait_store(0)
    fire(0, 3)

    def body(j, carry):
        c = 3 * j + 2
        for t in range(3):
            ct = c + t
            bt = (2 + t) % 3
            drain_store(bt, ct)
            wait_store((bt + 2) % 3)
            fire((bt + 2) % 3, ct + 2)
        return carry

    lax.fori_loop(0, 20, body, 0)

    drain_store(2, 62)
    wait_store(1)
    drain_store(0, 63)
    wait_store(2)
    wait_store(0)


def kernel(x, table):
    return _gather_kernel(x, table)

# --- scband reference (transcript-rebuilt; emitter-appended) ---
"""Pipeline reference for scband-embedder-5849745457480 (READ-ONLY COPY).

The authoritative reference and input builder live on the scoring server;
editing this copy changes nothing except your own understanding.
"""

import jax, jax.numpy as jnp
import numpy as np

VOCAB = 1000000
EMBED_DIM = 64
BATCH = 16384
HIST = 50

def setup_inputs(seed: int = 0) -> dict:
    key = jax.random.key(seed)
    k_idx, k_tab = jax.random.split(key)
    x = jax.random.randint(k_idx, (BATCH, HIST), 0, VOCAB, dtype=jnp.int64 if jax.config.jax_enable_x64 else jnp.int32).astype(jnp.int32)
    # nn.Embedding default init: N(0, 1)
    table = jax.random.normal(k_tab, (VOCAB, EMBED_DIM), dtype=jnp.float32)
    return {"x": x, "table": table}

def reference(x, table):
    # Faithful to nn.Embedding forward: row gather from the embedding table
    return jnp.take(table, x, axis=0)

if __name__ == "__main__":
    import jax
    _d = setup_inputs()
    print(jax.jit(kernel)(*tuple(_d.values())))

</pallas_src>

<mosaic_0001>
#map = affine_map<(d0, d1) -> (0, 0)>
#map1 = affine_map<(d0, d1) -> (0, 0, 0)>
module attributes {stable_mosaic.version = 14 : i64} {
  func.func @_gather_kernel(%arg0: i32, %arg1: i32, %arg2: memref<16384x50xi32, #tpu.memory_space<hbm>>, %arg3: memref<1000000x64xf32, #tpu.memory_space<hbm>>, %arg4: memref<16384x50x64xf32, #tpu.memory_space<hbm>>, %arg5: memref<512x50xi32, #tpu.memory_space<vmem>>, %arg6: memref<8x50x64xf32, #tpu.memory_space<vmem>>, %arg7: memref<8x50x64xf32, #tpu.memory_space<vmem>>, %arg8: memref<8x50x64xf32, #tpu.memory_space<vmem>>, %arg9: memref<!tpu.dma_semaphore, #tpu.memory_space<semaphore_mem>>, %arg10: memref<!tpu.dma_semaphore, #tpu.memory_space<semaphore_mem>>, %arg11: memref<!tpu.dma_semaphore, #tpu.memory_space<semaphore_mem>>, %arg12: memref<!tpu.dma_semaphore, #tpu.memory_space<semaphore_mem>>, %arg13: memref<!tpu.dma_semaphore, #tpu.memory_space<semaphore_mem>>, %arg14: memref<!tpu.dma_semaphore, #tpu.memory_space<semaphore_mem>>) attributes {dimension_semantics = [#tpu.dimension_semantics<core_parallel>, #tpu.dimension_semantics<subcore_parallel>], iteration_bounds = array<i64: 2, 16>, scalar_prefetch = 0 : i64, scratch_operands = 10 : i64, tpu.core_type = #tpu.core_type<sc_vector_subcore>, window_params = [{transform_indices = #map}, {transform_indices = #map}, {transform_indices = #map1}]} {
    %mul3A = arith.constant 2 : i32
    %mul3A_0 = arith.muli %arg1, %mul3A : i32
    %add3A = arith.addi %mul3A_0, %arg0 : i32
    %mul3A_1 = arith.constant 512 : i32
    %mul3A_2 = arith.muli %add3A, %mul3A_1 : i32
    "tpu.region"() ({
      %run_scoped3A = tpu.sem_alloc : memref<!tpu.dma_semaphore, #tpu.memory_space<semaphore_mem>>
      %dma_start3A_470 = arith.constant 0 : i32
      %dma_start3A_471 = tpu.memref_slice %arg2[%mul3A_2, %dma_start3A_470] : memref<16384x50xi32, #tpu.memory_space<hbm>> -> memref<512x50xi32, #tpu.memory_space<hbm>>
      %dma_start3A_472 = arith.constant 0 : i32
      %dma_start3A_473 = tpu.memref_slice %arg2[%mul3A_2, %dma_start3A_472] : memref<16384x50xi32, #tpu.memory_space<hbm>> -> memref<512x50xi32, #tpu.memory_space<hbm>>
      tpu.enqueue_dma source(%dma_start3A_473 : memref<512x50xi32, #tpu.memory_space<hbm>>) target(%arg5 : memref<512x50xi32, #tpu.memory_space<vmem>>) target_semaphore(%run_scoped3A : memref<!tpu.dma_semaphore, #tpu.memory_space<semaphore_mem>>)
      %dma_wait3A_474 = arith.constant 0 : i32
      %dma_wait3A_475 = tpu.memref_slice %arg2[%mul3A_2, %dma_wait3A_474] : memref<16384x50xi32, #tpu.memory_space<hbm>> -> memref<512x50xi32, #tpu.memory_space<hbm>>
      %dma_wait3A_476 = arith.constant 0 : i32
      %dma_wait3A_477 = tpu.memref_slice %arg2[%mul3A_2, %dma_wait3A_476] : memref<16384x50xi32, #tpu.memory_space<hbm>> -> memref<512x50xi32, #tpu.memory_space<hbm>>
      tpu.wait_dma2 semaphore(%run_scoped3A : memref<!tpu.dma_semaphore, #tpu.memory_space<semaphore_mem>>) src(%dma_wait3A_477 : memref<512x50xi32, #tpu.memory_space<hbm>>) dst(%arg5 : memref<512x50xi32, #tpu.memory_space<vmem>>)
      tpu.yield
    }) : () -> ()
    %dma_start3A = arith.constant 0 : i32
    %dma_start3A_3 = arith.constant 0 : i32
    %dma_start3A_4 = arith.constant 0 : i32
    %dma_start3A_5 = arith.constant 0 : i32
    %dma_start3A_6 = tpu.memref_slice %arg6[%dma_start3A_3, %dma_start3A_4, %dma_start3A_5] : memref<8x50x64xf32, #tpu.memory_space<vmem>> -> memref<1x50x64xf32, #tpu.memory_space<vmem>>
    %dma_start3A_7 = tpu.memref_squeeze %dma_start3A_6 : memref<1x50x64xf32, #tpu.memory_space<vmem>> -> memref<50x64xf32, #tpu.memory_space<vmem>>
    %dma_start3A_8 = arith.constant 0 : i32
    %dma_start3A_9 = tpu.memref_slice %arg5[%dma_start3A, %dma_start3A_8] : memref<512x50xi32, #tpu.memory_space<vmem>> -> memref<1x50xi32, #tpu.memory_space<vmem>>
    %dma_start3A_10 = tpu.memref_squeeze %dma_start3A_9 : memref<1x50xi32, #tpu.memory_space<vmem>> -> memref<50xi32, #tpu.memory_space<vmem>>
    %dma_start3A_11 = arith.constant 0 : i32
    %dma_start3A_12 = arith.constant 0 : i32
    %dma_start3A_13 = tpu.memref_slice %arg3[%dma_start3A_11, %dma_start3A_12] : memref<1000000x64xf32, #tpu.memory_space<hbm>> -> memref<1000000x64xf32, #tpu.memory_space<hbm>>
    tpu.enqueue_indirect_dma source(%dma_start3A_13 : memref<1000000x64xf32, #tpu.memory_space<hbm>>) target(%dma_start3A_7 : memref<50x64xf32, #tpu.memory_space<vmem>>) offsets(%dma_start3A_10 : memref<50xi32, #tpu.memory_space<vmem>>) semaphore(%arg9 : memref<!tpu.dma_semaphore, #tpu.memory_space<semaphore_mem>>)
    %dma_start3A_14 = arith.constant 1 : i32
    %dma_start3A_15 = arith.constant 1 : i32
    %dma_start3A_16 = arith.constant 0 : i32
    %dma_start3A_17 = arith.constant 0 : i32
    %dma_start3A_18 = tpu.memref_slice %arg6[%dma_start3A_15, %dma_start3A_16, %dma_start3A_17] : memref<8x50x64xf32, #tpu.memory_space<vmem>> -> memref<1x50x64xf32, #tpu.memory_space<vmem>>
    %dma_start3A_19 = tpu.memref_squeeze %dma_start3A_18 : memref<1x50x64xf32, #tpu.memory_space<vmem>> -> memref<50x64xf32, #tpu.memory_space<vmem>>
    %dma_start3A_20 = arith.constant 0 : i32
    %dma_start3A_21 = tpu.memref_slice %arg5[%dma_start3A_14, %dma_start3A_20] : memref<512x50xi32, #tpu.memory_space<vmem>> -> memref<1x50xi32, #tpu.memory_space<vmem>>
    %dma_start3A_22 = tpu.memref_squeeze %dma_start3A_21 : memref<1x50xi32, #tpu.memory_space<vmem>> -> memref<50xi32, #tpu.memory_space<vmem>>
    %dma_start3A_23 = arith.constant 0 : i32
    %dma_start3A_24 = arith.constant 0 : i32
    %dma_start3A_25 = tpu.memref_slice %arg3[%dma_start3A_23, %dma_start3A_24] : memref<1000000x64xf32, #tpu.memory_space<hbm>> -> memref<1000000x64xf32, #tpu.memory_space<hbm>>
    tpu.enqueue_indirect_dma source(%dma_start3A_25 : memref<1000000x64xf32, #tpu.memory_space<hbm>>) target(%dma_start3A_19 : memref<50x64xf32, #tpu.memory_space<vmem>>) offsets(%dma_start3A_22 : memref<50xi32, #tpu.memory_space<vmem>>) semaphore(%arg9 : memref<!tpu.dma_semaphore, #tpu.memory_space<semaphore_mem>>)
    %dma_start3A_26 = arith.constant 2 : i32
    %dma_start3A_27 = arith.constant 2 : i32
    %dma_start3A_28 = arith.constant 0 : i32
    %dma_start3A_29 = arith.constant 0 : i32
    %dma_start3A_30 = tpu.memref_slice %arg6[%dma_start3A_27, %dma_start3A_28, %dma_start3A_29] : memref<8x50x64xf32, #tpu.memory_space<vmem>> -> memref<1x50x64xf32, #tpu.memory_space<vmem>>
    %dma_start3A_31 = tpu.memref_squeeze %dma_start3A_30 : memref<1x50x64xf32, #tpu.memory_space<vmem>> -> memref<50x64xf32, #tpu.memory_space<vmem>>
    %dma_start3A_32 = arith.constant 0 : i32
    %dma_start3A_33 = tpu.memref_slice %arg5[%dma_start3A_26, %dma_start3A_32] : memref<512x50xi32, #tpu.memory_space<vmem>> -> memref<1x50xi32, #tpu.memory_space<vmem>>
    %dma_start3A_34 = tpu.memref_squeeze %dma_start3A_33 : memref<1x50xi32, #tpu.memory_space<vmem>> -> memref<50xi32, #tpu.memory_space<vmem>>
    %dma_start3A_35 = arith.constant 0 : i32
    %dma_start3A_36 = arith.constant 0 : i32
    %dma_start3A_37 = tpu.memref_slice %arg3[%dma_start3A_35, %dma_start3A_36] : memref<1000000x64xf32, #tpu.memory_space<hbm>> -> memref<1000000x64xf32, #tpu.memory_space<hbm>>
    tpu.enqueue_indirect_dma source(%dma_start3A_37 : memref<1000000x64xf32, #tpu.memory_space<hbm>>) target(%dma_start3A_31 : memref<50x64xf32, #tpu.memory_space<vmem>>) offsets(%dma_start3A_34 : memref<50xi32, #tpu.memory_space<vmem>>) semaphore(%arg9 : memref<!tpu.dma_semaphore, #tpu.memory_space<semaphore_mem>>)
    %dma_start3A_38 = arith.constant 3 : i32
    %dma_start3A_39 = arith.constant 3 : i32
    %dma_start3A_40 = arith.constant 0 : i32
    %dma_start3A_41 = arith.constant 0 : i32
    %dma_start3A_42 = tpu.memref_slice %arg6[%dma_start3A_39, %dma_start3A_40, %dma_start3A_41] : memref<8x50x64xf32, #tpu.memory_space<vmem>> -> memref<1x50x64xf32, #tpu.memory_space<vmem>>
    %dma_start3A_43 = tpu.memref_squeeze %dma_start3A_42 : memref<1x50x64xf32, #tpu.memory_space<vmem>> -> memref<50x64xf32, #tpu.memory_space<vmem>>
    %dma_start3A_44 = arith.constant 0 : i32
    %dma_start3A_45 = tpu.memref_slice %arg5[%dma_start3A_38, %dma_start3A_44] : memref<512x50xi32, #tpu.memory_space<vmem>> -> memref<1x50xi32, #tpu.memory_space<vmem>>
    %dma_start3A_46 = tpu.memref_squeeze %dma_start3A_45 : memref<1x50xi32, #tpu.memory_space<vmem>> -> memref<50xi32, #tpu.memory_space<vmem>>
    %dma_start3A_47 = arith.constant 0 : i32
    %dma_start3A_48 = arith.constant 0 : i32
    %dma_start3A_49 = tpu.memref_slice %arg3[%dma_start3A_47, %dma_start3A_48] : memref<1000000x64xf32, #tpu.memory_space<hbm>> -> memref<1000000x64xf32, #tpu.memory_space<hbm>>
    tpu.enqueue_indirect_dma source(%dma_start3A_49 : memref<1000000x64xf32, #tpu.memory_space<hbm>>) target(%dma_start3A_43 : memref<50x64xf32, #tpu.memory_space<vmem>>) offsets(%dma_start3A_46 : memref<50xi32, #tpu.memory_space<vmem>>) semaphore(%arg9 : memref<!tpu.dma_semaphore, #tpu.memory_space<semaphore_mem>>)
    %dma_start3A_50 = arith.constant 4 : i32
    %dma_start3A_51 = arith.constant 4 : i32
    %dma_start3A_52 = arith.constant 0 : i32
    %dma_start3A_53 = arith.constant 0 : i32
    %dma_start3A_54 = tpu.memref_slice %arg6[%dma_start3A_51, %dma_start3A_52, %dma_start3A_53] : memref<8x50x64xf32, #tpu.memory_space<vmem>> -> memref<1x50x64xf32, #tpu.memory_space<vmem>>
    %dma_start3A_55 = tpu.memref_squeeze %dma_start3A_54 : memref<1x50x64xf32, #tpu.memory_space<vmem>> -> memref<50x64xf32, #tpu.memory_space<vmem>>
    %dma_start3A_56 = arith.constant 0 : i32
    %dma_start3A_57 = tpu.memref_slice %arg5[%dma_start3A_50, %dma_start3A_56] : memref<512x50xi32, #tpu.memory_space<vmem>> -> memref<1x50xi32, #tpu.memory_space<vmem>>
    %dma_start3A_58 = tpu.memref_squeeze %dma_start3A_57 : memref<1x50xi32, #tpu.memory_space<vmem>> -> memref<50xi32, #tpu.memory_space<vmem>>
    %dma_start3A_59 = arith.constant 0 : i32
    %dma_start3A_60 = arith.constant 0 : i32
    %dma_start3A_61 = tpu.memref_slice %arg3[%dma_start3A_59, %dma_start3A_60] : memref<1000000x64xf32, #tpu.memory_space<hbm>> -> memref<1000000x64xf32, #tpu.memory_space<hbm>>
    tpu.enqueue_indirect_dma source(%dma_start3A_61 : memref<1000000x64xf32, #tpu.memory_space<hbm>>) target(%dma_start3A_55 : memref<50x64xf32, #tpu.memory_space<vmem>>) offsets(%dma_start3A_58 : memref<50xi32, #tpu.memory_space<vmem>>) semaphore(%arg9 : memref<!tpu.dma_semaphore, #tpu.memory_space<semaphore_mem>>)
    %dma_start3A_62 = arith.constant 5 : i32
    %dma_start3A_63 = arith.constant 5 : i32
    %dma_start3A_64 = arith.constant 0 : i32
    %dma_start3A_65 = arith.constant 0 : i32
    %dma_start3A_66 = tpu.memref_slice %arg6[%dma_start3A_63, %dma_start3A_64, %dma_start3A_65] : memref<8x50x64xf32, #tpu.memory_space<vmem>> -> memref<1x50x64xf32, #tpu.memory_space<vmem>>
    %dma_start3A_67 = tpu.memref_squeeze %dma_start3A_66 : memref<1x50x64xf32, #tpu.memory_space<vmem>> -> memref<50x64xf32, #tpu.memory_space<vmem>>
    %dma_start3A_68 = arith.constant 0 : i32
    %dma_start3A_69 = tpu.memref_slice %arg5[%dma_start3A_62, %dma_start3A_68] : memref<512x50xi32, #tpu.memory_space<vmem>> -> memref<1x50xi32, #tpu.memory_space<vmem>>
    %dma_start3A_70 = tpu.memref_squeeze %dma_start3A_69 : memref<1x50xi32, #tpu.memory_space<vmem>> -> memref<50xi32, #tpu.memory_space<vmem>>
    %dma_start3A_71 = arith.constant 0 : i32
    %dma_start3A_72 = arith.constant 0 : i32
    %dma_start3A_73 = tpu.memref_slice %arg3[%dma_start3A_71, %dma_start3A_72] : memref<1000000x64xf32, #tpu.memory_space<hbm>> -> memref<1000000x64xf32, #tpu.memory_space<hbm>>
    tpu.enqueue_indirect_dma source(%dma_start3A_73 : memref<1000000x64xf32, #tpu.memory_space<hbm>>) target(%dma_start3A_67 : memref<50x64xf32, #tpu.memory_space<vmem>>) offsets(%dma_start3A_70 : memref<50xi32, #tpu.memory_space<vmem>>) semaphore(%arg9 : memref<!tpu.dma_semaphore, #tpu.memory_space<semaphore_mem>>)
    %dma_start3A_74 = arith.constant 6 : i32
    %dma_start3A_75 = arith.constant 6 : i32
    %dma_start3A_76 = arith.constant 0 : i32
    %dma_start3A_77 = arith.constant 0 : i32
    %dma_start3A_78 = tpu.memref_slice %arg6[%dma_start3A_75, %dma_start3A_76, %dma_start3A_77] : memref<8x50x64xf32, #tpu.memory_space<vmem>> -> memref<1x50x64xf32, #tpu.memory_space<vmem>>
    %dma_start3A_79 = tpu.memref_squeeze %dma_start3A_78 : memref<1x50x64xf32, #tpu.memory_space<vmem>> -> memref<50x64xf32, #tpu.memory_space<vmem>>
    %dma_start3A_80 = arith.constant 0 : i32
    %dma_start3A_81 = tpu.memref_slice %arg5[%dma_start3A_74, %dma_start3A_80] : memref<512x50xi32, #tpu.memory_space<vmem>> -> memref<1x50xi32, #tpu.memory_space<vmem>>
    %dma_start3A_82 = tpu.memref_squeeze %dma_start3A_81 : memref<1x50xi32, #tpu.memory_space<vmem>> -> memref<50xi32, #tpu.memory_space<vmem>>
    %dma_start3A_83 = arith.constant 0 : i32
    %dma_start3A_84 = arith.constant 0 : i32
    %dma_start3A_85 = tpu.memref_slice %arg3[%dma_start3A_83, %dma_start3A_84] : memref<1000000x64xf32, #tpu.memory_space<hbm>> -> memref<1000000x64xf32, #tpu.memory_space<hbm>>
    tpu.enqueue_indirect_dma source(%dma_start3A_85 : memref<1000000x64xf32, #tpu.memory_space<hbm>>) target(%dma_start3A_79 : memref<50x64xf32, #tpu.memory_space<vmem>>) offsets(%dma_start3A_82 : memref<50xi32, #tpu.memory_space<vmem>>) semaphore(%arg9 : memref<!tpu.dma_semaphore, #tpu.memory_space<semaphore_mem>>)
    %dma_start3A_86 = arith.constant 7 : i32
    %dma_start3A_87 = arith.constant 7 : i32
    %dma_start3A_88 = arith.constant 0 : i32
    %dma_start3A_89 = arith.constant 0 : i32
    %dma_start3A_90 = tpu.memref_slice %arg6[%dma_start3A_87, %dma_start3A_88, %dma_start3A_89] : memref<8x50x64xf32, #tpu.memory_space<vmem>> -> memref<1x50x64xf32, #tpu.memory_space<vmem>>
    %dma_start3A_91 = tpu.memref_squeeze %dma_start3A_90 : memref<1x50x64xf32, #tpu.memory_space<vmem>> -> memref<50x64xf32, #tpu.memory_space<vmem>>
    %dma_start3A_92 = arith.constant 0 : i32
    %dma_start3A_93 = tpu.memref_slice %arg5[%dma_start3A_86, %dma_start3A_92] : memref<512x50xi32, #tpu.memory_space<vmem>> -> memref<1x50xi32, #tpu.memory_space<vmem>>
    %dma_start3A_94 = tpu.memref_squeeze %dma_start3A_93 : memref<1x50xi32, #tpu.memory_space<vmem>> -> memref<50xi32, #tpu.memory_space<vmem>>
    %dma_start3A_95 = arith.constant 0 : i32
    %dma_start3A_96 = arith.constant 0 : i32
    %dma_start3A_97 = tpu.memref_slice %arg3[%dma_start3A_95, %dma_start3A_96] : memref<1000000x64xf32, #tpu.memory_space<hbm>> -> memref<1000000x64xf32, #tpu.memory_space<hbm>>
    tpu.enqueue_indirect_dma source(%dma_start3A_97 : memref<1000000x64xf32, #tpu.memory_space<hbm>>) target(%dma_start3A_91 : memref<50x64xf32, #tpu.memory_space<vmem>>) offsets(%dma_start3A_94 : memref<50xi32, #tpu.memory_space<vmem>>) semaphore(%arg9 : memref<!tpu.dma_semaphore, #tpu.memory_space<semaphore_mem>>)
    %dma_start3A_98 = arith.constant 8 : i32
    %dma_start3A_99 = arith.constant 0 : i32
    %dma_start3A_100 = arith.constant 0 : i32
    %dma_start3A_101 = arith.constant 0 : i32
    %dma_start3A_102 = tpu.memref_slice %arg7[%dma_start3A_99, %dma_start3A_100, %dma_start3A_101] : memref<8x50x64xf32, #tpu.memory_space<vmem>> -> memref<1x50x64xf32, #tpu.memory_space<vmem>>
    %dma_start3A_103 = tpu.memref_squeeze %dma_start3A_102 : memref<1x50x64xf32, #tpu.memory_space<vmem>> -> memref<50x64xf32, #tpu.memory_space<vmem>>
    %dma_start3A_104 = arith.constant 0 : i32
    %dma_start3A_105 = tpu.memref_slice %arg5[%dma_start3A_98, %dma_start3A_104] : memref<512x50xi32, #tpu.memory_space<vmem>> -> memref<1x50xi32, #tpu.memory_space<vmem>>
    %dma_start3A_106 = tpu.memref_squeeze %dma_start3A_105 : memref<1x50xi32, #tpu.memory_space<vmem>> -> memref<50xi32, #tpu.memory_space<vmem>>
    %dma_start3A_107 = arith.constant 0 : i32
    %dma_start3A_108 = arith.constant 0 : i32
    %dma_start3A_109 = tpu.memref_slice %arg3[%dma_start3A_107, %dma_start3A_108] : memref<1000000x64xf32, #tpu.memory_space<hbm>> -> memref<1000000x64xf32, #tpu.memory_space<hbm>>
    tpu.enqueue_indirect_dma source(%dma_start3A_109 : memref<1000000x64xf32, #tpu.memory_space<hbm>>) target(%dma_start3A_103 : memref<50x64xf32, #tpu.memory_space<vmem>>) offsets(%dma_start3A_106 : memref<50xi32, #tpu.memory_space<vmem>>) semaphore(%arg10 : memref<!tpu.dma_semaphore, #tpu.memory_space<semaphore_mem>>)
    %dma_start3A_110 = arith.constant 9 : i32
    %dma_start3A_111 = arith.constant 1 : i32
    %dma_start3A_112 = arith.constant 0 : i32
    %dma_start3A_113 = arith.constant 0 : i32
    %dma_start3A_114 = tpu.memref_slice %arg7[%dma_start3A_111, %dma_start3A_112, %dma_start3A_113] : memref<8x50x64xf32, #tpu.memory_space<vmem>> -> memref<1x50x64xf32, #tpu.memory_space<vmem>>
    %dma_start3A_115 = tpu.memref_squeeze %dma_start3A_114 : memref<1x50x64xf32, #tpu.memory_space<vmem>> -> memref<50x64xf32, #tpu.memory_space<vmem>>
    %dma_start3A_116 = arith.constant 0 : i32
    %dma_start3A_117 = tpu.memref_slice %arg5[%dma_start3A_110, %dma_start3A_116] : memref<512x50xi32, #tpu.memory_space<vmem>> -> memref<1x50xi32, #tpu.memory_space<vmem>>
    %dma_start3A_118 = tpu.memref_squeeze %dma_start3A_117 : memref<1x50xi32, #tpu.memory_space<vmem>> -> memref<50xi32, #tpu.memory_space<vmem>>
    %dma_start3A_119 = arith.constant 0 : i32
    %dma_start3A_120 = arith.constant 0 : i32
    %dma_start3A_121 = tpu.memref_slice %arg3[%dma_start3A_119, %dma_start3A_120] : memref<1000000x64xf32, #tpu.memory_space<hbm>> -> memref<1000000x64xf32, #tpu.memory_space<hbm>>
    tpu.enqueue_indirect_dma source(%dma_start3A_121 : memref<1000000x64xf32, #tpu.memory_space<hbm>>) target(%dma_start3A_115 : memref<50x64xf32, #tpu.memory_space<vmem>>) offsets(%dma_start3A_118 : memref<50xi32, #tpu.memory_space<vmem>>) semaphore(%arg10 : memref<!tpu.dma_semaphore, #tpu.memory_space<semaphore_mem>>)
    %dma_start3A_122 = arith.constant 10 : i32
    %dma_start3A_123 = arith.constant 2 : i32
    %dma_start3A_124 = arith.constant 0 : i32
    %dma_start3A_125 = arith.constant 0 : i32
    %dma_start3A_126 = tpu.memref_slice %arg7[%dma_start3A_123, %dma_start3A_124, %dma_start3A_125] : memref<8x50x64xf32, #tpu.memory_space<vmem>> -> memref<1x50x64xf32, #tpu.memory_space<vmem>>
    %dma_start3A_127 = tpu.memref_squeeze %dma_start3A_126 : memref<1x50x64xf32, #tpu.memory_space<vmem>> -> memref<50x64xf32, #tpu.memory_space<vmem>>
    %dma_start3A_128 = arith.constant 0 : i32
    %dma_start3A_129 = tpu.memref_slice %arg5[%dma_start3A_122, %dma_start3A_128] : memref<512x50xi32, #tpu.memory_space<vmem>> -> memref<1x50xi32, #tpu.memory_space<vmem>>
    %dma_start3A_130 = tpu.memref_squeeze %dma_start3A_129 : memref<1x50xi32, #tpu.memory_space<vmem>> -> memref<50xi32, #tpu.memory_space<vmem>>
    %dma_start3A_131 = arith.constant 0 : i32
    %dma_start3A_132 = arith.constant 0 : i32
    %dma_start3A_133 = tpu.memref_slice %arg3[%dma_start3A_131, %dma_start3A_132] : memref<1000000x64xf32, #tpu.memory_space<hbm>> -> memref<1000000x64xf32, #tpu.memory_space<hbm>>
    tpu.enqueue_indirect_dma source(%dma_start3A_133 : memref<1000000x64xf32, #tpu.memory_space<hbm>>) target(%dma_start3A_127 : memref<50x64xf32, #tpu.memory_space<vmem>>) offsets(%dma_start3A_130 : memref<50xi32, #tpu.memory_space<vmem>>) semaphore(%arg10 : memref<!tpu.dma_semaphore, #tpu.memory_space<semaphore_mem>>)
    %dma_start3A_134 = arith.constant 11 : i32
    %dma_start3A_135 = arith.constant 3 : i32
    %dma_start3A_136 = arith.constant 0 : i32
    %dma_start3A_137 = arith.constant 0 : i32
    %dma_start3A_138 = tpu.memref_slice %arg7[%dma_start3A_135, %dma_start3A_136, %dma_start3A_137] : memref<8x50x64xf32, #tpu.memory_space<vmem>> -> memref<1x50x64xf32, #tpu.memory_space<vmem>>
    %dma_start3A_139 = tpu.memref_squeeze %dma_start3A_138 : memref<1x50x64xf32, #tpu.memory_space<vmem>> -> memref<50x64xf32, #tpu.memory_space<vmem>>
    %dma_start3A_140 = arith.constant 0 : i32
    %dma_start3A_141 = tpu.memref_slice %arg5[%dma_start3A_134, %dma_start3A_140] : memref<512x50xi32, #tpu.memory_space<vmem>> -> memref<1x50xi32, #tpu.memory_space<vmem>>
    %dma_start3A_142 = tpu.memref_squeeze %dma_start3A_141 : memref<1x50xi32, #tpu.memory_space<vmem>> -> memref<50xi32, #tpu.memory_space<vmem>>
    %dma_start3A_143 = arith.constant 0 : i32
    %dma_start3A_144 = arith.constant 0 : i32
    %dma_start3A_145 = tpu.memref_slice %arg3[%dma_start3A_143, %dma_start3A_144] : memref<1000000x64xf32, #tpu.memory_space<hbm>> -> memref<1000000x64xf32, #tpu.memory_space<hbm>>
    tpu.enqueue_indirect_dma source(%dma_start3A_145 : memref<1000000x64xf32, #tpu.memory_space<hbm>>) target(%dma_start3A_139 : memref<50x64xf32, #tpu.memory_space<vmem>>) offsets(%dma_start3A_142 : memref<50xi32, #tpu.memory_space<vmem>>) semaphore(%arg10 : memref<!tpu.dma_semaphore, #tpu.memory_space<semaphore_mem>>)
    %dma_start3A_146 = arith.constant 12 : i32
    %dma_start3A_147 = arith.constant 4 : i32
    %dma_start3A_148 = arith.constant 0 : i32
    %dma_start3A_149 = arith.constant 0 : i32
    %dma_start3A_150 = tpu.memref_slice %arg7[%dma_start3A_147, %dma_start3A_148, %dma_start3A_149] : memref<8x50x64xf32, #tpu.memory_space<vmem>> -> memref<1x50x64xf32, #tpu.memory_space<vmem>>
    %dma_start3A_151 = tpu.memref_squeeze %dma_start3A_150 : memref<1x50x64xf32, #tpu.memory_space<vmem>> -> memref<50x64xf32, #tpu.memory_space<vmem>>
    %dma_start3A_152 = arith.constant 0 : i32
    %dma_start3A_153 = tpu.memref_slice %arg5[%dma_start3A_146, %dma_start3A_152] : memref<512x50xi32, #tpu.memory_space<vmem>> -> memref<1x50xi32, #tpu.memory_space<vmem>>
    %dma_start3A_154 = tpu.memref_squeeze %dma_start3A_153 : memref<1x50xi32, #tpu.memory_space<vmem>> -> memref<50xi32, #tpu.memory_space<vmem>>
    %dma_start3A_155 = arith.constant 0 : i32
    %dma_start3A_156 = arith.constant 0 : i32
    %dma_start3A_157 = tpu.memref_slice %arg3[%dma_start3A_155, %dma_start3A_156] : memref<1000000x64xf32, #tpu.memory_space<hbm>> -> memref<1000000x64xf32, #tpu.memory_space<hbm>>
    tpu.enqueue_indirect_dma source(%dma_start3A_157 : memref<1000000x64xf32, #tpu.memory_space<hbm>>) target(%dma_start3A_151 : memref<50x64xf32, #tpu.memory_space<vmem>>) offsets(%dma_start3A_154 : memref<50xi32, #tpu.memory_space<vmem>>) semaphore(%arg10 : memref<!tpu.dma_semaphore, #tpu.memory_space<semaphore_mem>>)
    %dma_start3A_158 = arith.constant 13 : i32
    %dma_start3A_159 = arith.constant 5 : i32
    %dma_start3A_160 = arith.constant 0 : i32
    %dma_start3A_161 = arith.constant 0 : i32
    %dma_start3A_162 = tpu.memref_slice %arg7[%dma_start3A_159, %dma_start3A_160, %dma_start3A_161] : memref<8x50x64xf32, #tpu.memory_space<vmem>> -> memref<1x50x64xf32, #tpu.memory_space<vmem>>
    %dma_start3A_163 = tpu.memref_squeeze %dma_start3A_162 : memref<1x50x64xf32, #tpu.memory_space<vmem>> -> memref<50x64xf32, #tpu.memory_space<vmem>>
    %dma_start3A_164 = arith.constant 0 : i32
    %dma_start3A_165 = tpu.memref_slice %arg5[%dma_start3A_158, %dma_start3A_164] : memref<512x50xi32, #tpu.memory_space<vmem>> -> memref<1x50xi32, #tpu.memory_space<vmem>>
    %dma_start3A_166 = tpu.memref_squeeze %dma_start3A_165 : memref<1x50xi32, #tpu.memory_space<vmem>> -> memref<50xi32, #tpu.memory_space<vmem>>
    %dma_start3A_167 = arith.constant 0 : i32
    %dma_start3A_168 = arith.constant 0 : i32
    %dma_start3A_169 = tpu.memref_slice %arg3[%dma_start3A_167, %dma_start3A_168] : memref<1000000x64xf32, #tpu.memory_space<hbm>> -> memref<1000000x64xf32, #tpu.memory_space<hbm>>
    tpu.enqueue_indirect_dma source(%dma_start3A_169 : memref<1000000x64xf32, #tpu.memory_space<hbm>>) target(%dma_start3A_163 : memref<50x64xf32, #tpu.memory_space<vmem>>) offsets(%dma_start3A_166 : memref<50xi32, #tpu.memory_space<vmem>>) semaphore(%arg10 : memref<!tpu.dma_semaphore, #tpu.memory_space<semaphore_mem>>)
    %dma_start3A_170 = arith.constant 14 : i32
    %dma_start3A_171 = arith.constant 6 : i32
    %dma_start3A_172 = arith.constant 0 : i32
    %dma_start3A_173 = arith.constant 0 : i32
    %dma_start3A_174 = tpu.memref_slice %arg7[%dma_start3A_171, %dma_start3A_172, %dma_start3A_173] : memref<8x50x64xf32, #tpu.memory_space<vmem>> -> memref<1x50x64xf32, #tpu.memory_space<vmem>>
    %dma_start3A_175 = tpu.memref_squeeze %dma_start3A_174 : memref<1x50x64xf32, #tpu.memory_space<vmem>> -> memref<50x64xf32, #tpu.memory_space<vmem>>
    %dma_start3A_176 = arith.constant 0 : i32
    %dma_start3A_177 = tpu.memref_slice %arg5[%dma_start3A_170, %dma_start3A_176] : memref<512x50xi32, #tpu.memory_space<vmem>> -> memref<1x50xi32, #tpu.memory_space<vmem>>
    %dma_start3A_178 = tpu.memref_squeeze %dma_start3A_177 : memref<1x50xi32, #tpu.memory_space<vmem>> -> memref<50xi32, #tpu.memory_space<vmem>>
    %dma_start3A_179 = arith.constant 0 : i32
    %dma_start3A_180 = arith.constant 0 : i32
    %dma_start3A_181 = tpu.memref_slice %arg3[%dma_start3A_179, %dma_start3A_180] : memref<1000000x64xf32, #tpu.memory_space<hbm>> -> memref<1000000x64xf32, #tpu.memory_space<hbm>>
    tpu.enqueue_indirect_dma source(%dma_start3A_181 : memref<1000000x64xf32, #tpu.memory_space<hbm>>) target(%dma_start3A_175 : memref<50x64xf32, #tpu.memory_space<vmem>>) offsets(%dma_start3A_178 : memref<50xi32, #tpu.memory_space<vmem>>) semaphore(%arg10 : memref<!tpu.dma_semaphore, #tpu.memory_space<semaphore_mem>>)
    %dma_start3A_182 = arith.constant 15 : i32
    %dma_start3A_183 = arith.constant 7 : i32
    %dma_start3A_184 = arith.constant 0 : i32
    %dma_start3A_185 = arith.constant 0 : i32
    %dma_start3A_186 = tpu.memref_slice %arg7[%dma_start3A_183, %dma_start3A_184, %dma_start3A_185] : memref<8x50x64xf32, #tpu.memory_space<vmem>> -> memref<1x50x64xf32, #tpu.memory_space<vmem>>
    %dma_start3A_187 = tpu.memref_squeeze %dma_start3A_186 : memref<1x50x64xf32, #tpu.memory_space<vmem>> -> memref<50x64xf32, #tpu.memory_space<vmem>>
    %dma_start3A_188 = arith.constant 0 : i32
    %dma_start3A_189 = tpu.memref_slice %arg5[%dma_start3A_182, %dma_start3A_188] : memref<512x50xi32, #tpu.memory_space<vmem>> -> memref<1x50xi32, #tpu.memory_space<vmem>>
    %dma_start3A_190 = tpu.memref_squeeze %dma_start3A_189 : memref<1x50xi32, #tpu.memory_space<vmem>> -> memref<50xi32, #tpu.memory_space<vmem>>
    %dma_start3A_191 = arith.constant 0 : i32
    %dma_start3A_192 = arith.constant 0 : i32
    %dma_start3A_193 = tpu.memref_slice %arg3[%dma_start3A_191, %dma_start3A_192] : memref<1000000x64xf32, #tpu.memory_space<hbm>> -> memref<1000000x64xf32, #tpu.memory_space<hbm>>
    tpu.enqueue_indirect_dma source(%dma_start3A_193 : memref<1000000x64xf32, #tpu.memory_space<hbm>>) target(%dma_start3A_187 : memref<50x64xf32, #tpu.memory_space<vmem>>) offsets(%dma_start3A_190 : memref<50xi32, #tpu.memory_space<vmem>>) semaphore(%arg10 : memref<!tpu.dma_semaphore, #tpu.memory_space<semaphore_mem>>)
    %dma_wait3A = arith.constant 0 : i32
    %dma_wait3A_194 = arith.constant 0 : i32
    %dma_wait3A_195 = tpu.memref_slice %arg4[%mul3A_2, %dma_wait3A, %dma_wait3A_194] : memref<16384x50x64xf32, #tpu.memory_space<hbm>> -> memref<8x50x64xf32, #tpu.memory_space<hbm>>
    %dma_wait3A_196 = arith.constant 0 : i32
    %dma_wait3A_197 = arith.constant 0 : i32
    %dma_wait3A_198 = tpu.memref_slice %arg4[%mul3A_2, %dma_wait3A_196, %dma_wait3A_197] : memref<16384x50x64xf32, #tpu.memory_space<hbm>> -> memref<8x50x64xf32, #tpu.memory_space<hbm>>
    tpu.wait_dma2 semaphore(%arg9 : memref<!tpu.dma_semaphore, #tpu.memory_space<semaphore_mem>>) src(%dma_wait3A_198 : memref<8x50x64xf32, #tpu.memory_space<hbm>>) dst(%arg6 : memref<8x50x64xf32, #tpu.memory_space<vmem>>)
    %add3A_199 = arith.constant 0 : i32
    %add3A_200 = arith.addi %mul3A_2, %add3A_199 : i32
    %dma_start3A_201 = arith.constant 0 : i32
    %dma_start3A_202 = arith.constant 0 : i32
    %dma_start3A_203 = tpu.memref_slice %arg4[%add3A_200, %dma_start3A_201, %dma_start3A_202] : memref<16384x50x64xf32, #tpu.memory_space<hbm>> -> memref<8x50x64xf32, #tpu.memory_space<hbm>>
    %dma_start3A_204 = arith.constant 0 : i32
    %dma_start3A_205 = arith.constant 0 : i32
    %dma_start3A_206 = tpu.memref_slice %arg4[%add3A_200, %dma_start3A_204, %dma_start3A_205] : memref<16384x50x64xf32, #tpu.memory_space<hbm>> -> memref<8x50x64xf32, #tpu.memory_space<hbm>>
    tpu.enqueue_dma source(%arg6 : memref<8x50x64xf32, #tpu.memory_space<vmem>>) target(%dma_start3A_206 : memref<8x50x64xf32, #tpu.memory_space<hbm>>) target_semaphore(%arg12 : memref<!tpu.dma_semaphore, #tpu.memory_space<semaphore_mem>>)
    %dma_start3A_207 = arith.constant 16 : i32
    %dma_start3A_208 = arith.constant 0 : i32
    %dma_start3A_209 = arith.constant 0 : i32
    %dma_start3A_210 = arith.constant 0 : i32
    %dma_start3A_211 = tpu.memref_slice %arg8[%dma_start3A_208, %dma_start3A_209, %dma_start3A_210] : memref<8x50x64xf32, #tpu.memory_space<vmem>> -> memref<1x50x64xf32, #tpu.memory_space<vmem>>
    %dma_start3A_212 = tpu.memref_squeeze %dma_start3A_211 : memref<1x50x64xf32, #tpu.memory_space<vmem>> -> memref<50x64xf32, #tpu.memory_space<vmem>>
    %dma_start3A_213 = arith.constant 0 : i32
    %dma_start3A_214 = tpu.memref_slice %arg5[%dma_start3A_207, %dma_start3A_213] : memref<512x50xi32, #tpu.memory_space<vmem>> -> memref<1x50xi32, #tpu.memory_space<vmem>>
    %dma_start3A_215 = tpu.memref_squeeze %dma_start3A_214 : memref<1x50xi32, #tpu.memory_space<vmem>> -> memref<50xi32, #tpu.memory_space<vmem>>
    %dma_start3A_216 = arith.constant 0 : i32
    %dma_start3A_217 = arith.constant 0 : i32
    %dma_start3A_218 = tpu.memref_slice %arg3[%dma_start3A_216, %dma_start3A_217] : memref<1000000x64xf32, #tpu.memory_space<hbm>> -> memref<1000000x64xf32, #tpu.memory_space<hbm>>
    tpu.enqueue_indirect_dma source(%dma_start3A_218 : memref<1000000x64xf32, #tpu.memory_space<hbm>>) target(%dma_start3A_212 : memref<50x64xf32, #tpu.memory_space<vmem>>) offsets(%dma_start3A_215 : memref<50xi32, #tpu.memory_space<vmem>>) semaphore(%arg11 : memref<!tpu.dma_semaphore, #tpu.memory_space<semaphore_mem>>)
    %dma_start3A_219 = arith.constant 17 : i32
    %dma_start3A_220 = arith.constant 1 : i32
    %dma_start3A_221 = arith.constant 0 : i32
    %dma_start3A_222 = arith.constant 0 : i32
    %dma_start3A_223 = tpu.memref_slice %arg8[%dma_start3A_220, %dma_start3A_221, %dma_start3A_222] : memref<8x50x64xf32, #tpu.memory_space<vmem>> -> memref<1x50x64xf32, #tpu.memory_space<vmem>>
    %dma_start3A_224 = tpu.memref_squeeze %dma_start3A_223 : memref<1x50x64xf32, #tpu.memory_space<vmem>> -> memref<50x64xf32, #tpu.memory_space<vmem>>
    %dma_start3A_225 = arith.constant 0 : i32
    %dma_start3A_226 = tpu.memref_slice %arg5[%dma_start3A_219, %dma_start3A_225] : memref<512x50xi32, #tpu.memory_space<vmem>> -> memref<1x50xi32, #tpu.memory_space<vmem>>
    %dma_start3A_227 = tpu.memref_squeeze %dma_start3A_226 : memref<1x50xi32, #tpu.memory_space<vmem>> -> memref<50xi32, #tpu.memory_space<vmem>>
    %dma_start3A_228 = arith.constant 0 : i32
    %dma_start3A_229 = arith.constant 0 : i32
    %dma_start3A_230 = tpu.memref_slice %arg3[%dma_start3A_228, %dma_start3A_229] : memref<1000000x64xf32, #tpu.memory_space<hbm>> -> memref<1000000x64xf32, #tpu.memory_space<hbm>>
    tpu.enqueue_indirect_dma source(%dma_start3A_230 : memref<1000000x64xf32, #tpu.memory_space<hbm>>) target(%dma_start3A_224 : memref<50x64xf32, #tpu.memory_space<vmem>>) offsets(%dma_start3A_227 : memref<50xi32, #tpu.memory_space<vmem>>) semaphore(%arg11 : memref<!tpu.dma_semaphore, #tpu.memory_space<semaphore_mem>>)
    %dma_start3A_231 = arith.constant 18 : i32
    %dma_start3A_232 = arith.constant 2 : i32
    %dma_start3A_233 = arith.constant 0 : i32
    %dma_start3A_234 = arith.constant 0 : i32
    %dma_start3A_235 = tpu.memref_slice %arg8[%dma_start3A_232, %dma_start3A_233, %dma_start3A_234] : memref<8x50x64xf32, #tpu.memory_space<vmem>> -> memref<1x50x64xf32, #tpu.memory_space<vmem>>
    %dma_start3A_236 = tpu.memref_squeeze %dma_start3A_235 : memref<1x50x64xf32, #tpu.memory_space<vmem>> -> memref<50x64xf32, #tpu.memory_space<vmem>>
    %dma_start3A_237 = arith.constant 0 : i32
    %dma_start3A_238 = tpu.memref_slice %arg5[%dma_start3A_231, %dma_start3A_237] : memref<512x50xi32, #tpu.memory_space<vmem>> -> memref<1x50xi32, #tpu.memory_space<vmem>>
    %dma_start3A_239 = tpu.memref_squeeze %dma_start3A_238 : memref<1x50xi32, #tpu.memory_space<vmem>> -> memref<50xi32, #tpu.memory_space<vmem>>
    %dma_start3A_240 = arith.constant 0 : i32
    %dma_start3A_241 = arith.constant 0 : i32
    %dma_start3A_242 = tpu.memref_slice %arg3[%dma_start3A_240, %dma_start3A_241] : memref<1000000x64xf32, #tpu.memory_space<hbm>> -> memref<1000000x64xf32, #tpu.memory_space<hbm>>
    tpu.enqueue_indirect_dma source(%dma_start3A_242 : memref<1000000x64xf32, #tpu.memory_space<hbm>>) target(%dma_start3A_236 : memref<50x64xf32, #tpu.memory_space<vmem>>) offsets(%dma_start3A_239 : memref<50xi32, #tpu.memory_space<vmem>>) semaphore(%arg11 : memref<!tpu.dma_semaphore, #tpu.memory_space<semaphore_mem>>)
    %dma_start3A_243 = arith.constant 19 : i32
    %dma_start3A_244 = arith.constant 3 : i32
    %dma_start3A_245 = arith.constant 0 : i32
    %dma_start3A_246 = arith.constant 0 : i32
    %dma_start3A_247 = tpu.memref_slice %arg8[%dma_start3A_244, %dma_start3A_245, %dma_start3A_246] : memref<8x50x64xf32, #tpu.memory_space<vmem>> -> memref<1x50x64xf32, #tpu.memory_space<vmem>>
    %dma_start3A_248 = tpu.memref_squeeze %dma_start3A_247 : memref<1x50x64xf32, #tpu.memory_space<vmem>> -> memref<50x64xf32, #tpu.memory_space<vmem>>
    %dma_start3A_249 = arith.constant 0 : i32
    %dma_start3A_250 = tpu.memref_slice %arg5[%dma_start3A_243, %dma_start3A_249] : memref<512x50xi32, #tpu.memory_space<vmem>> -> memref<1x50xi32, #tpu.memory_space<vmem>>
    %dma_start3A_251 = tpu.memref_squeeze %dma_start3A_250 : memref<1x50xi32, #tpu.memory_space<vmem>> -> memref<50xi32, #tpu.memory_space<vmem>>
    %dma_start3A_252 = arith.constant 0 : i32
    %dma_start3A_253 = arith.constant 0 : i32
    %dma_start3A_254 = tpu.memref_slice %arg3[%dma_start3A_252, %dma_start3A_253] : memref<1000000x64xf32, #tpu.memory_space<hbm>> -> memref<1000000x64xf32, #tpu.memory_space<hbm>>
    tpu.enqueue_indirect_dma source(%dma_start3A_254 : memref<1000000x64xf32, #tpu.memory_space<hbm>>) target(%dma_start3A_248 : memref<50x64xf32, #tpu.memory_space<vmem>>) offsets(%dma_start3A_251 : memref<50xi32, #tpu.memory_space<vmem>>) semaphore(%arg11 : memref<!tpu.dma_semaphore, #tpu.memory_space<semaphore_mem>>)
    %dma_start3A_255 = arith.constant 20 : i32
    %dma_start3A_256 = arith.constant 4 : i32
    %dma_start3A_257 = arith.constant 0 : i32
    %dma_start3A_258 = arith.constant 0 : i32
    %dma_start3A_259 = tpu.memref_slice %arg8[%dma_start3A_256, %dma_start3A_257, %dma_start3A_258] : memref<8x50x64xf32, #tpu.memory_space<vmem>> -> memref<1x50x64xf32, #tpu.memory_space<vmem>>
    %dma_start3A_260 = tpu.memref_squeeze %dma_start3A_259 : memref<1x50x64xf32, #tpu.memory_space<vmem>> -> memref<50x64xf32, #tpu.memory_space<vmem>>
    %dma_start3A_261 = arith.constant 0 : i32
    %dma_start3A_262 = tpu.memref_slice %arg5[%dma_start3A_255, %dma_start3A_261] : memref<512x50xi32, #tpu.memory_space<vmem>> -> memref<1x50xi32, #tpu.memory_space<vmem>>
    %dma_start3A_263 = tpu.memref_squeeze %dma_start3A_262 : memref<1x50xi32, #tpu.memory_space<vmem>> -> memref<50xi32, #tpu.memory_space<vmem>>
    %dma_start3A_264 = arith.constant 0 : i32
    %dma_start3A_265 = arith.constant 0 : i32
    %dma_start3A_266 = tpu.memref_slice %arg3[%dma_start3A_264, %dma_start3A_265] : memref<1000000x64xf32, #tpu.memory_space<hbm>> -> memref<1000000x64xf32, #tpu.memory_space<hbm>>
    tpu.enqueue_indirect_dma source(%dma_start3A_266 : memref<1000000x64xf32, #tpu.memory_space<hbm>>) target(%dma_start3A_260 : memref<50x64xf32, #tpu.memory_space<vmem>>) offsets(%dma_start3A_263 : memref<50xi32, #tpu.memory_space<vmem>>) semaphore(%arg11 : memref<!tpu.dma_semaphore, #tpu.memory_space<semaphore_mem>>)
    %dma_start3A_267 = arith.constant 21 : i32
    %dma_start3A_268 = arith.constant 5 : i32
    %dma_start3A_269 = arith.constant 0 : i32
    %dma_start3A_270 = arith.constant 0 : i32
    %dma_start3A_271 = tpu.memref_slice %arg8[%dma_start3A_268, %dma_start3A_269, %dma_start3A_270] : memref<8x50x64xf32, #tpu.memory_space<vmem>> -> memref<1x50x64xf32, #tpu.memory_space<vmem>>
    %dma_start3A_272 = tpu.memref_squeeze %dma_start3A_271 : memref<1x50x64xf32, #tpu.memory_space<vmem>> -> memref<50x64xf32, #tpu.memory_space<vmem>>
    %dma_start3A_273 = arith.constant 0 : i32
    %dma_start3A_274 = tpu.memref_slice %arg5[%dma_start3A_267, %dma_start3A_273] : memref<512x50xi32, #tpu.memory_space<vmem>> -> memref<1x50xi32, #tpu.memory_space<vmem>>
    %dma_start3A_275 = tpu.memref_squeeze %dma_start3A_274 : memref<1x50xi32, #tpu.memory_space<vmem>> -> memref<50xi32, #tpu.memory_space<vmem>>
    %dma_start3A_276 = arith.constant 0 : i32
    %dma_start3A_277 = arith.constant 0 : i32
    %dma_start3A_278 = tpu.memref_slice %arg3[%dma_start3A_276, %dma_start3A_277] : memref<1000000x64xf32, #tpu.memory_space<hbm>> -> memref<1000000x64xf32, #tpu.memory_space<hbm>>
    tpu.enqueue_indirect_dma source(%dma_start3A_278 : memref<1000000x64xf32, #tpu.memory_space<hbm>>) target(%dma_start3A_272 : memref<50x64xf32, #tpu.memory_space<vmem>>) offsets(%dma_start3A_275 : memref<50xi32, #tpu.memory_space<vmem>>) semaphore(%arg11 : memref<!tpu.dma_semaphore, #tpu.memory_space<semaphore_mem>>)
    %dma_start3A_279 = arith.constant 22 : i32
    %dma_start3A_280 = arith.constant 6 : i32
    %dma_start3A_281 = arith.constant 0 : i32
    %dma_start3A_282 = arith.constant 0 : i32
    %dma_start3A_283 = tpu.memref_slice %arg8[%dma_start3A_280, %dma_start3A_281, %dma_start3A_282] : memref<8x50x64xf32, #tpu.memory_space<vmem>> -> memref<1x50x64xf32, #tpu.memory_space<vmem>>
    %dma_start3A_284 = tpu.memref_squeeze %dma_start3A_283 : memref<1x50x64xf32, #tpu.memory_space<vmem>> -> memref<50x64xf32, #tpu.memory_space<vmem>>
    %dma_start3A_285 = arith.constant 0 : i32
    %dma_start3A_286 = tpu.memref_slice %arg5[%dma_start3A_279, %dma_start3A_285] : memref<512x50xi32, #tpu.memory_space<vmem>> -> memref<1x50xi32, #tpu.memory_space<vmem>>
    %dma_start3A_287 = tpu.memref_squeeze %dma_start3A_286 : memref<1x50xi32, #tpu.memory_space<vmem>> -> memref<50xi32, #tpu.memory_space<vmem>>
    %dma_start3A_288 = arith.constant 0 : i32
    %dma_start3A_289 = arith.constant 0 : i32
    %dma_start3A_290 = tpu.memref_slice %arg3[%dma_start3A_288, %dma_start3A_289] : memref<1000000x64xf32, #tpu.memory_space<hbm>> -> memref<1000000x64xf32, #tpu.memory_space<hbm>>
    tpu.enqueue_indirect_dma source(%dma_start3A_290 : memref<1000000x64xf32, #tpu.memory_space<hbm>>) target(%dma_start3A_284 : memref<50x64xf32, #tpu.memory_space<vmem>>) offsets(%dma_start3A_287 : memref<50xi32, #tpu.memory_space<vmem>>) semaphore(%arg11 : memref<!tpu.dma_semaphore, #tpu.memory_space<semaphore_mem>>)
    %dma_start3A_291 = arith.constant 23 : i32
    %dma_start3A_292 = arith.constant 7 : i32
    %dma_start3A_293 = arith.constant 0 : i32
    %dma_start3A_294 = arith.constant 0 : i32
    %dma_start3A_295 = tpu.memref_slice %arg8[%dma_start3A_292, %dma_start3A_293, %dma_start3A_294] : memref<8x50x64xf32, #tpu.memory_space<vmem>> -> memref<1x50x64xf32, #tpu.memory_space<vmem>>
    %dma_start3A_296 = tpu.memref_squeeze %dma_start3A_295 : memref<1x50x64xf32, #tpu.memory_space<vmem>> -> memref<50x64xf32, #tpu.memory_space<vmem>>
    %dma_start3A_297 = arith.constant 0 : i32
    %dma_start3A_298 = tpu.memref_slice %arg5[%dma_start3A_291, %dma_start3A_297] : memref<512x50xi32, #tpu.memory_space<vmem>> -> memref<1x50xi32, #tpu.memory_space<vmem>>
    %dma_start3A_299 = tpu.memref_squeeze %dma_start3A_298 : memref<1x50xi32, #tpu.memory_space<vmem>> -> memref<50xi32, #tpu.memory_space<vmem>>
    %dma_start3A_300 = arith.constant 0 : i32
    %dma_start3A_301 = arith.constant 0 : i32
    %dma_start3A_302 = tpu.memref_slice %arg3[%dma_start3A_300, %dma_start3A_301] : memref<1000000x64xf32, #tpu.memory_space<hbm>> -> memref<1000000x64xf32, #tpu.memory_space<hbm>>
    tpu.enqueue_indirect_dma source(%dma_start3A_302 : memref<1000000x64xf32, #tpu.memory_space<hbm>>) target(%dma_start3A_296 : memref<50x64xf32, #tpu.memory_space<vmem>>) offsets(%dma_start3A_299 : memref<50xi32, #tpu.memory_space<vmem>>) semaphore(%arg11 : memref<!tpu.dma_semaphore, #tpu.memory_space<semaphore_mem>>)
    %dma_wait3A_303 = arith.constant 0 : i32
    %dma_wait3A_304 = arith.constant 0 : i32
    %dma_wait3A_305 = tpu.memref_slice %arg4[%mul3A_2, %dma_wait3A_303, %dma_wait3A_304] : memref<16384x50x64xf32, #tpu.memory_space<hbm>> -> memref<8x50x64xf32, #tpu.memory_space<hbm>>
    %dma_wait3A_306 = arith.constant 0 : i32
    %dma_wait3A_307 = arith.constant 0 : i32
    %dma_wait3A_308 = tpu.memref_slice %arg4[%mul3A_2, %dma_wait3A_306, %dma_wait3A_307] : memref<16384x50x64xf32, #tpu.memory_space<hbm>> -> memref<8x50x64xf32, #tpu.memory_space<hbm>>
    tpu.wait_dma2 semaphore(%arg10 : memref<!tpu.dma_semaphore, #tpu.memory_space<semaphore_mem>>) src(%dma_wait3A_308 : memref<8x50x64xf32, #tpu.memory_space<hbm>>) dst(%arg7 : memref<8x50x64xf32, #tpu.memory_space<vmem>>)
    %add3A_309 = arith.constant 8 : i32
    %add3A_310 = arith.addi %mul3A_2, %add3A_309 : i32
    %dma_start3A_311 = arith.constant 0 : i32
    %dma_start3A_312 = arith.constant 0 : i32
    %dma_start3A_313 = tpu.memref_slice %arg4[%add3A_310, %dma_start3A_311, %dma_start3A_312] : memref<16384x50x64xf32, #tpu.memory_space<hbm>> -> memref<8x50x64xf32, #tpu.memory_space<hbm>>
    %dma_start3A_314 = arith.constant 0 : i32
    %dma_start3A_315 = arith.constant 0 : i32
    %dma_start3A_316 = tpu.memref_slice %arg4[%add3A_310, %dma_start3A_314, %dma_start3A_315] : memref<16384x50x64xf32, #tpu.memory_space<hbm>> -> memref<8x50x64xf32, #tpu.memory_space<hbm>>
    tpu.enqueue_dma source(%arg7 : memref<8x50x64xf32, #tpu.memory_space<vmem>>) target(%dma_start3A_316 : memref<8x50x64xf32, #tpu.memory_space<hbm>>) target_semaphore(%arg13 : memref<!tpu.dma_semaphore, #tpu.memory_space<semaphore_mem>>)
    %dma_wait3A_317 = arith.constant 0 : i32
    %dma_wait3A_318 = arith.constant 0 : i32
    %dma_wait3A_319 = tpu.memref_slice %arg4[%mul3A_2, %dma_wait3A_317, %dma_wait3A_318] : memref<16384x50x64xf32, #tpu.memory_space<hbm>> -> memref<8x50x64xf32, #tpu.memory_space<hbm>>
    %dma_wait3A_320 = arith.constant 0 : i32
    %dma_wait3A_321 = arith.constant 0 : i32
    %dma_wait3A_322 = tpu.memref_slice %arg4[%mul3A_2, %dma_wait3A_320, %dma_wait3A_321] : memref<16384x50x64xf32, #tpu.memory_space<hbm>> -> memref<8x50x64xf32, #tpu.memory_space<hbm>>
    tpu.wait_dma2 semaphore(%arg12 : memref<!tpu.dma_semaphore, #tpu.memory_space<semaphore_mem>>) src(%arg6 : memref<8x50x64xf32, #tpu.memory_space<vmem>>) dst(%dma_wait3A_322 : memref<8x50x64xf32, #tpu.memory_space<hbm>>)
    %dma_start3A_323 = arith.constant 24 : i32
    %dma_start3A_324 = arith.constant 0 : i32
    %dma_start3A_325 = arith.constant 0 : i32
    %dma_start3A_326 = arith.constant 0 : i32
    %dma_start3A_327 = tpu.memref_slice %arg6[%dma_start3A_324, %dma_start3A_325, %dma_start3A_326] : memref<8x50x64xf32, #tpu.memory_space<vmem>> -> memref<1x50x64xf32, #tpu.memory_space<vmem>>
    %dma_start3A_328 = tpu.memref_squeeze %dma_start3A_327 : memref<1x50x64xf32, #tpu.memory_space<vmem>> -> memref<50x64xf32, #tpu.memory_space<vmem>>
    %dma_start3A_329 = arith.constant 0 : i32
    %dma_start3A_330 = tpu.memref_slice %arg5[%dma_start3A_323, %dma_start3A_329] : memref<512x50xi32, #tpu.memory_space<vmem>> -> memref<1x50xi32, #tpu.memory_space<vmem>>
    %dma_start3A_331 = tpu.memref_squeeze %dma_start3A_330 : memref<1x50xi32, #tpu.memory_space<vmem>> -> memref<50xi32, #tpu.memory_space<vmem>>
    %dma_start3A_332 = arith.constant 0 : i32
    %dma_start3A_333 = arith.constant 0 : i32
    %dma_start3A_334 = tpu.memref_slice %arg3[%dma_start3A_332, %dma_start3A_333] : memref<1000000x64xf32, #tpu.memory_space<hbm>> -> memref<1000000x64xf32, #tpu.memory_space<hbm>>
    tpu.enqueue_indirect_dma source(%dma_start3A_334 : memref<1000000x64xf32, #tpu.memory_space<hbm>>) target(%dma_start3A_328 : memref<50x64xf32, #tpu.memory_space<vmem>>) offsets(%dma_start3A_331 : memref<50xi32, #tpu.memory_space<vmem>>) semaphore(%arg9 : memref<!tpu.dma_semaphore, #tpu.memory_space<semaphore_mem>>)
    %dma_start3A_335 = arith.constant 25 : i32
    %dma_start3A_336 = arith.constant 1 : i32
    %dma_start3A_337 = arith.constant 0 : i32
    %dma_start3A_338 = arith.constant 0 : i32
    %dma_start3A_339 = tpu.memref_slice %arg6[%dma_start3A_336, %dma_start3A_337, %dma_start3A_338] : memref<8x50x64xf32, #tpu.memory_space<vmem>> -> memref<1x50x64xf32, #tpu.memory_space<vmem>>
    %dma_start3A_340 = tpu.memref_squeeze %dma_start3A_339 : memref<1x50x64xf32, #tpu.memory_space<vmem>> -> memref<50x64xf32, #tpu.memory_space<vmem>>
    %dma_start3A_341 = arith.constant 0 : i32
    %dma_start3A_342 = tpu.memref_slice %arg5[%dma_start3A_335, %dma_start3A_341] : memref<512x50xi32, #tpu.memory_space<vmem>> -> memref<1x50xi32, #tpu.memory_space<vmem>>
    %dma_start3A_343 = tpu.memref_squeeze %dma_start3A_342 : memref<1x50xi32, #tpu.memory_space<vmem>> -> memref<50xi32, #tpu.memory_space<vmem>>
    %dma_start3A_344 = arith.constant 0 : i32
    %dma_start3A_345 = arith.constant 0 : i32
    %dma_start3A_346 = tpu.memref_slice %arg3[%dma_start3A_344, %dma_start3A_345] : memref<1000000x64xf32, #tpu.memory_space<hbm>> -> memref<1000000x64xf32, #tpu.memory_space<hbm>>
    tpu.enqueue_indirect_dma source(%dma_start3A_346 : memref<1000000x64xf32, #tpu.memory_space<hbm>>) target(%dma_start3A_340 : memref<50x64xf32, #tpu.memory_space<vmem>>) offsets(%dma_start3A_343 : memref<50xi32, #tpu.memory_space<vmem>>) semaphore(%arg9 : memref<!tpu.dma_semaphore, #tpu.memory_space<semaphore_mem>>)
    %dma_start3A_347 = arith.constant 26 : i32
    %dma_start3A_348 = arith.constant 2 : i32
    %dma_start3A_349 = arith.constant 0 : i32
    %dma_start3A_350 = arith.constant 0 : i32
    %dma_start3A_351 = tpu.memref_slice %arg6[%dma_start3A_348, %dma_start3A_349, %dma_start3A_350] : memref<8x50x64xf32, #tpu.memory_space<vmem>> -> memref<1x50x64xf32, #tpu.memory_space<vmem>>
    %dma_start3A_352 = tpu.memref_squeeze %dma_start3A_351 : memref<1x50x64xf32, #tpu.memory_space<vmem>> -> memref<50x64xf32, #tpu.memory_space<vmem>>
    %dma_start3A_353 = arith.constant 0 : i32
    %dma_start3A_354 = tpu.memref_slice %arg5[%dma_start3A_347, %dma_start3A_353] : memref<512x50xi32, #tpu.memory_space<vmem>> -> memref<1x50xi32, #tpu.memory_space<vmem>>
    %dma_start3A_355 = tpu.memref_squeeze %dma_start3A_354 : memref<1x50xi32, #tpu.memory_space<vmem>> -> memref<50xi32, #tpu.memory_space<vmem>>
    %dma_start3A_356 = arith.constant 0 : i32
    %dma_start3A_357 = arith.constant 0 : i32
    %dma_start3A_358 = tpu.memref_slice %arg3[%dma_start3A_356, %dma_start3A_357] : memref<1000000x64xf32, #tpu.memory_space<hbm>> -> memref<1000000x64xf32, #tpu.memory_space<hbm>>
    tpu.enqueue_indirect_dma source(%dma_start3A_358 : memref<1000000x64xf32, #tpu.memory_space<hbm>>) target(%dma_start3A_352 : memref<50x64xf32, #tpu.memory_space<vmem>>) offsets(%dma_start3A_355 : memref<50xi32, #tpu.memory_space<vmem>>) semaphore(%arg9 : memref<!tpu.dma_semaphore, #tpu.memory_space<semaphore_mem>>)
    %dma_start3A_359 = arith.constant 27 : i32
    %dma_start3A_360 = arith.constant 3 : i32
    %dma_start3A_361 = arith.constant 0 : i32
    %dma_start3A_362 = arith.constant 0 : i32
    %dma_start3A_363 = tpu.memref_slice %arg6[%dma_start3A_360, %dma_start3A_361, %dma_start3A_362] : memref<8x50x64xf32, #tpu.memory_space<vmem>> -> memref<1x50x64xf32, #tpu.memory_space<vmem>>
    %dma_start3A_364 = tpu.memref_squeeze %dma_start3A_363 : memref<1x50x64xf32, #tpu.memory_space<vmem>> -> memref<50x64xf32, #tpu.memory_space<vmem>>
    %dma_start3A_365 = arith.constant 0 : i32
    %dma_start3A_366 = tpu.memref_slice %arg5[%dma_start3A_359, %dma_start3A_365] : memref<512x50xi32, #tpu.memory_space<vmem>> -> memref<1x50xi32, #tpu.memory_space<vmem>>
    %dma_start3A_367 = tpu.memref_squeeze %dma_start3A_366 : memref<1x50xi32, #tpu.memory_space<vmem>> -> memref<50xi32, #tpu.memory_space<vmem>>
    %dma_start3A_368 = arith.constant 0 : i32
    %dma_start3A_369 = arith.constant 0 : i32
    %dma_start3A_370 = tpu.memref_slice %arg3[%dma_start3A_368, %dma_start3A_369] : memref<1000000x64xf32, #tpu.memory_space<hbm>> -> memref<1000000x64xf32, #tpu.memory_space<hbm>>
    tpu.enqueue_indirect_dma source(%dma_start3A_370 : memref<1000000x64xf32, #tpu.memory_space<hbm>>) target(%dma_start3A_364 : memref<50x64xf32, #tpu.memory_space<vmem>>) offsets(%dma_start3A_367 : memref<50xi32, #tpu.memory_space<vmem>>) semaphore(%arg9 : memref<!tpu.dma_semaphore, #tpu.memory_space<semaphore_mem>>)
    %dma_start3A_371 = arith.constant 28 : i32
    %dma_start3A_372 = arith.constant 4 : i32
    %dma_start3A_373 = arith.constant 0 : i32
    %dma_start3A_374 = arith.constant 0 : i32
    %dma_start3A_375 = tpu.memref_slice %arg6[%dma_start3A_372, %dma_start3A_373, %dma_start3A_374] : memref<8x50x64xf32, #tpu.memory_space<vmem>> -> memref<1x50x64xf32, #tpu.memory_space<vmem>>
    %dma_start3A_376 = tpu.memref_squeeze %dma_start3A_375 : memref<1x50x64xf32, #tpu.memory_space<vmem>> -> memref<50x64xf32, #tpu.memory_space<vmem>>
    %dma_start3A_377 = arith.constant 0 : i32
    %dma_start3A_378 = tpu.memref_slice %arg5[%dma_start3A_371, %dma_start3A_377] : memref<512x50xi32, #tpu.memory_space<vmem>> -> memref<1x50xi32, #tpu.memory_space<vmem>>
    %dma_start3A_379 = tpu.memref_squeeze %dma_start3A_378 : memref<1x50xi32, #tpu.memory_space<vmem>> -> memref<50xi32, #tpu.memory_space<vmem>>
    %dma_start3A_380 = arith.constant 0 : i32
    %dma_start3A_381 = arith.constant 0 : i32
    %dma_start3A_382 = tpu.memref_slice %arg3[%dma_start3A_380, %dma_start3A_381] : memref<1000000x64xf32, #tpu.memory_space<hbm>> -> memref<1000000x64xf32, #tpu.memory_space<hbm>>
    tpu.enqueue_indirect_dma source(%dma_start3A_382 : memref<1000000x64xf32, #tpu.memory_space<hbm>>) target(%dma_start3A_376 : memref<50x64xf32, #tpu.memory_space<vmem>>) offsets(%dma_start3A_379 : memref<50xi32, #tpu.memory_space<vmem>>) semaphore(%arg9 : memref<!tpu.dma_semaphore, #tpu.memory_space<semaphore_mem>>)
    %dma_start3A_383 = arith.constant 29 : i32
    %dma_start3A_384 = arith.constant 5 : i32
    %dma_start3A_385 = arith.constant 0 : i32
    %dma_start3A_386 = arith.constant 0 : i32
    %dma_start3A_387 = tpu.memref_slice %arg6[%dma_start3A_384, %dma_start3A_385, %dma_start3A_386] : memref<8x50x64xf32, #tpu.memory_space<vmem>> -> memref<1x50x64xf32, #tpu.memory_space<vmem>>
    %dma_start3A_388 = tpu.memref_squeeze %dma_start3A_387 : memref<1x50x64xf32, #tpu.memory_space<vmem>> -> memref<50x64xf32, #tpu.memory_space<vmem>>
    %dma_start3A_389 = arith.constant 0 : i32
    %dma_start3A_390 = tpu.memref_slice %arg5[%dma_start3A_383, %dma_start3A_389] : memref<512x50xi32, #tpu.memory_space<vmem>> -> memref<1x50xi32, #tpu.memory_space<vmem>>
    %dma_start3A_391 = tpu.memref_squeeze %dma_start3A_390 : memref<1x50xi32, #tpu.memory_space<vmem>> -> memref<50xi32, #tpu.memory_space<vmem>>
    %dma_start3A_392 = arith.constant 0 : i32
    %dma_start3A_393 = arith.constant 0 : i32
    %dma_start3A_394 = tpu.memref_slice %arg3[%dma_start3A_392, %dma_start3A_393] : memref<1000000x64xf32, #tpu.memory_space<hbm>> -> memref<1000000x64xf32, #tpu.memory_space<hbm>>
    tpu.enqueue_indirect_dma source(%dma_start3A_394 : memref<1000000x64xf32, #tpu.memory_space<hbm>>) target(%dma_start3A_388 : memref<50x64xf32, #tpu.memory_space<vmem>>) offsets(%dma_start3A_391 : memref<50xi32, #tpu.memory_space<vmem>>) semaphore(%arg9 : memref<!tpu.dma_semaphore, #tpu.memory_space<semaphore_mem>>)
    %dma_start3A_395 = arith.constant 30 : i32
    %dma_start3A_396 = arith.constant 6 : i32
    %dma_start3A_397 = arith.constant 0 : i32
    %dma_start3A_398 = arith.constant 0 : i32
    %dma_start3A_399 = tpu.memref_slice %arg6[%dma_start3A_396, %dma_start3A_397, %dma_start3A_398] : memref<8x50x64xf32, #tpu.memory_space<vmem>> -> memref<1x50x64xf32, #tpu.memory_space<vmem>>
    %dma_start3A_400 = tpu.memref_squeeze %dma_start3A_399 : memref<1x50x64xf32, #tpu.memory_space<vmem>> -> memref<50x64xf32, #tpu.memory_space<vmem>>
    %dma_start3A_401 = arith.constant 0 : i32
    %dma_start3A_402 = tpu.memref_slice %arg5[%dma_start3A_395, %dma_start3A_401] : memref<512x50xi32, #tpu.memory_space<vmem>> -> memref<1x50xi32, #tpu.memory_space<vmem>>
    %dma_start3A_403 = tpu.memref_squeeze %dma_start3A_402 : memref<1x50xi32, #tpu.memory_space<vmem>> -> memref<50xi32, #tpu.memory_space<vmem>>
    %dma_start3A_404 = arith.constant 0 : i32
    %dma_start3A_405 = arith.constant 0 : i32
    %dma_start3A_406 = tpu.memref_slice %arg3[%dma_start3A_404, %dma_start3A_405] : memref<1000000x64xf32, #tpu.memory_space<hbm>> -> memref<1000000x64xf32, #tpu.memory_space<hbm>>
    tpu.enqueue_indirect_dma source(%dma_start3A_406 : memref<1000000x64xf32, #tpu.memory_space<hbm>>) target(%dma_start3A_400 : memref<50x64xf32, #tpu.memory_space<vmem>>) offsets(%dma_start3A_403 : memref<50xi32, #tpu.memory_space<vmem>>) semaphore(%arg9 : memref<!tpu.dma_semaphore, #tpu.memory_space<semaphore_mem>>)
    %dma_start3A_407 = arith.constant 31 : i32
    %dma_start3A_408 = arith.constant 7 : i32
    %dma_start3A_409 = arith.constant 0 : i32
    %dma_start3A_410 = arith.constant 0 : i32
    %dma_start3A_411 = tpu.memref_slice %arg6[%dma_start3A_408, %dma_start3A_409, %dma_start3A_410] : memref<8x50x64xf32, #tpu.memory_space<vmem>> -> memref<1x50x64xf32, #tpu.memory_space<vmem>>
    %dma_start3A_412 = tpu.memref_squeeze %dma_start3A_411 : memref<1x50x64xf32, #tpu.memory_space<vmem>> -> memref<50x64xf32, #tpu.memory_space<vmem>>
    %dma_start3A_413 = arith.constant 0 : i32
    %dma_start3A_414 = tpu.memref_slice %arg5[%dma_start3A_407, %dma_start3A_413] : memref<512x50xi32, #tpu.memory_space<vmem>> -> memref<1x50xi32, #tpu.memory_space<vmem>>
    %dma_start3A_415 = tpu.memref_squeeze %dma_start3A_414 : memref<1x50xi32, #tpu.memory_space<vmem>> -> memref<50xi32, #tpu.memory_space<vmem>>
    %dma_start3A_416 = arith.constant 0 : i32
    %dma_start3A_417 = arith.constant 0 : i32
    %dma_start3A_418 = tpu.memref_slice %arg3[%dma_start3A_416, %dma_start3A_417] : memref<1000000x64xf32, #tpu.memory_space<hbm>> -> memref<1000000x64xf32, #tpu.memory_space<hbm>>
    tpu.enqueue_indirect_dma source(%dma_start3A_418 : memref<1000000x64xf32, #tpu.memory_space<hbm>>) target(%dma_start3A_412 : memref<50x64xf32, #tpu.memory_space<vmem>>) offsets(%dma_start3A_415 : memref<50xi32, #tpu.memory_space<vmem>>) semaphore(%arg9 : memref<!tpu.dma_semaphore, #tpu.memory_space<semaphore_mem>>)
    %scan3A = arith.constant 0 : i32
    %scan3A_419 = arith.constant 0 : i32
    %scan3A_420 = arith.constant 20 : i32
    %scan3A_421 = arith.addi %scan3A_419, %scan3A_420 : i32
    %scan3A_422 = arith.constant 1 : i32
    scf.for %scan3A_470 = %scan3A_419 to %scan3A_421 step %scan3A_422  : i32 {
      %mul3A_471 = arith.constant 3 : i32
      %mul3A_472 = arith.muli %mul3A_471, %scan3A_470 : i32
      %add3A_473 = arith.constant 2 : i32
      %add3A_474 = arith.addi %mul3A_472, %add3A_473 : i32
      %add3A_475 = arith.constant 0 : i32
      %add3A_476 = arith.addi %add3A_474, %add3A_475 : i32
      %dma_wait3A_477 = arith.constant 0 : i32
      %dma_wait3A_478 = arith.constant 0 : i32
      %dma_wait3A_479 = tpu.memref_slice %arg4[%mul3A_2, %dma_wait3A_477, %dma_wait3A_478] : memref<16384x50x64xf32, #tpu.memory_space<hbm>> -> memref<8x50x64xf32, #tpu.memory_space<hbm>>
      %dma_wait3A_480 = arith.constant 0 : i32
      %dma_wait3A_481 = arith.constant 0 : i32
      %dma_wait3A_482 = tpu.memref_slice %arg4[%mul3A_2, %dma_wait3A_480, %dma_wait3A_481] : memref<16384x50x64xf32, #tpu.memory_space<hbm>> -> memref<8x50x64xf32, #tpu.memory_space<hbm>>
      tpu.wait_dma2 semaphore(%arg11 : memref<!tpu.dma_semaphore, #tpu.memory_space<semaphore_mem>>) src(%dma_wait3A_482 : memref<8x50x64xf32, #tpu.memory_space<hbm>>) dst(%arg8 : memref<8x50x64xf32, #tpu.memory_space<vmem>>)
      %mul3A_483 = arith.constant 8 : i32
      %mul3A_484 = arith.muli %add3A_476, %mul3A_483 : i32
      %add3A_485 = arith.addi %mul3A_2, %mul3A_484 : i32
      %dma_start3A_486 = arith.constant 0 : i32
      %dma_start3A_487 = arith.constant 0 : i32
      %dma_start3A_488 = tpu.memref_slice %arg4[%add3A_485, %dma_start3A_486, %dma_start3A_487] : memref<16384x50x64xf32, #tpu.memory_space<hbm>> -> memref<8x50x64xf32, #tpu.memory_space<hbm>>
      %dma_start3A_489 = arith.constant 0 : i32
      %dma_start3A_490 = arith.constant 0 : i32
      %dma_start3A_491 = tpu.memref_slice %arg4[%add3A_485, %dma_start3A_489, %dma_start3A_490] : memref<16384x50x64xf32, #tpu.memory_space<hbm>> -> memref<8x50x64xf32, #tpu.memory_space<hbm>>
      tpu.enqueue_dma source(%arg8 : memref<8x50x64xf32, #tpu.memory_space<vmem>>) target(%dma_start3A_491 : memref<8x50x64xf32, #tpu.memory_space<hbm>>) target_semaphore(%arg14 : memref<!tpu.dma_semaphore, #tpu.memory_space<semaphore_mem>>)
      %dma_wait3A_492 = arith.constant 0 : i32
      %dma_wait3A_493 = arith.constant 0 : i32
      %dma_wait3A_494 = tpu.memref_slice %arg4[%mul3A_2, %dma_wait3A_492, %dma_wait3A_493] : memref<16384x50x64xf32, #tpu.memory_space<hbm>> -> memref<8x50x64xf32, #tpu.memory_space<hbm>>
      %dma_wait3A_495 = arith.constant 0 : i32
      %dma_wait3A_496 = arith.constant 0 : i32
      %dma_wait3A_497 = tpu.memref_slice %arg4[%mul3A_2, %dma_wait3A_495, %dma_wait3A_496] : memref<16384x50x64xf32, #tpu.memory_space<hbm>> -> memref<8x50x64xf32, #tpu.memory_space<hbm>>
      tpu.wait_dma2 semaphore(%arg13 : memref<!tpu.dma_semaphore, #tpu.memory_space<semaphore_mem>>) src(%arg7 : memref<8x50x64xf32, #tpu.memory_space<vmem>>) dst(%dma_wait3A_497 : memref<8x50x64xf32, #tpu.memory_space<hbm>>)
      %add3A_498 = arith.constant 2 : i32
      %add3A_499 = arith.addi %add3A_476, %add3A_498 : i32
      %mul3A_500 = arith.constant 8 : i32
      %mul3A_501 = arith.muli %add3A_499, %mul3A_500 : i32
      %add3A_502 = arith.constant 0 : i32
      %add3A_503 = arith.addi %mul3A_501, %add3A_502 : i32
      %dma_start3A_504 = arith.constant 0 : i32
      %dma_start3A_505 = arith.constant 0 : i32
      %dma_start3A_506 = arith.constant 0 : i32
      %dma_start3A_507 = tpu.memref_slice %arg7[%dma_start3A_504, %dma_start3A_505, %dma_start3A_506] : memref<8x50x64xf32, #tpu.memory_space<vmem>> -> memref<1x50x64xf32, #tpu.memory_space<vmem>>
      %dma_start3A_508 = tpu.memref_squeeze %dma_start3A_507 : memref<1x50x64xf32, #tpu.memory_space<vmem>> -> memref<50x64xf32, #tpu.memory_space<vmem>>
      %dma_start3A_509 = arith.constant 0 : i32
      %dma_start3A_510 = tpu.memref_slice %arg5[%add3A_503, %dma_start3A_509] : memref<512x50xi32, #tpu.memory_space<vmem>> -> memref<1x50xi32, #tpu.memory_space<vmem>>
      %dma_start3A_511 = tpu.memref_squeeze %dma_start3A_510 : memref<1x50xi32, #tpu.memory_space<vmem>> -> memref<50xi32, #tpu.memory_space<vmem>>
      %dma_start3A_512 = arith.constant 0 : i32
      %dma_start3A_513 = arith.constant 0 : i32
      %dma_start3A_514 = tpu.memref_slice %arg3[%dma_start3A_512, %dma_start3A_513] : memref<1000000x64xf32, #tpu.memory_space<hbm>> -> memref<1000000x64xf32, #tpu.memory_space<hbm>>
      tpu.enqueue_indirect_dma source(%dma_start3A_514 : memref<1000000x64xf32, #tpu.memory_space<hbm>>) target(%dma_start3A_508 : memref<50x64xf32, #tpu.memory_space<vmem>>) offsets(%dma_start3A_511 : memref<50xi32, #tpu.memory_space<vmem>>) semaphore(%arg10 : memref<!tpu.dma_semaphore, #tpu.memory_space<semaphore_mem>>)
      %mul3A_515 = arith.constant 8 : i32
      %mul3A_516 = arith.muli %add3A_499, %mul3A_515 : i32
      %add3A_517 = arith.constant 1 : i32
      %add3A_518 = arith.addi %mul3A_516, %add3A_517 : i32
      %dma_start3A_519 = arith.constant 1 : i32
      %dma_start3A_520 = arith.constant 0 : i32
      %dma_start3A_521 = arith.constant 0 : i32
      %dma_start3A_522 = tpu.memref_slice %arg7[%dma_start3A_519, %dma_start3A_520, %dma_start3A_521] : memref<8x50x64xf32, #tpu.memory_space<vmem>> -> memref<1x50x64xf32, #tpu.memory_space<vmem>>
      %dma_start3A_523 = tpu.memref_squeeze %dma_start3A_522 : memref<1x50x64xf32, #tpu.memory_space<vmem>> -> memref<50x64xf32, #tpu.memory_space<vmem>>
      %dma_start3A_524 = arith.constant 0 : i32
      %dma_start3A_525 = tpu.memref_slice %arg5[%add3A_518, %dma_start3A_524] : memref<512x50xi32, #tpu.memory_space<vmem>> -> memref<1x50xi32, #tpu.memory_space<vmem>>
      %dma_start3A_526 = tpu.memref_squeeze %dma_start3A_525 : memref<1x50xi32, #tpu.memory_space<vmem>> -> memref<50xi32, #tpu.memory_space<vmem>>
      %dma_start3A_527 = arith.constant 0 : i32
      %dma_start3A_528 = arith.constant 0 : i32
      %dma_start3A_529 = tpu.memref_slice %arg3[%dma_start3A_527, %dma_start3A_528] : memref<1000000x64xf32, #tpu.memory_space<hbm>> -> memref<1000000x64xf32, #tpu.memory_space<hbm>>
      tpu.enqueue_indirect_dma source(%dma_start3A_529 : memref<1000000x64xf32, #tpu.memory_space<hbm>>) target(%dma_start3A_523 : memref<50x64xf32, #tpu.memory_space<vmem>>) offsets(%dma_start3A_526 : memref<50xi32, #tpu.memory_space<vmem>>) semaphore(%arg10 : memref<!tpu.dma_semaphore, #tpu.memory_space<semaphore_mem>>)
      %mul3A_530 = arith.constant 8 : i32
      %mul3A_531 = arith.muli %add3A_499, %mul3A_530 : i32
      %add3A_532 = arith.constant 2 : i32
      %add3A_533 = arith.addi %mul3A_531, %add3A_532 : i32
      %dma_start3A_534 = arith.constant 2 : i32
      %dma_start3A_535 = arith.constant 0 : i32
      %dma_start3A_536 = arith.constant 0 : i32
      %dma_start3A_537 = tpu.memref_slice %arg7[%dma_start3A_534, %dma_start3A_535, %dma_start3A_536] : memref<8x50x64xf32, #tpu.memory_space<vmem>> -> memref<1x50x64xf32, #tpu.memory_space<vmem>>
      %dma_start3A_538 = tpu.memref_squeeze %dma_start3A_537 : memref<1x50x64xf32, #tpu.memory_space<vmem>> -> memref<50x64xf32, #tpu.memory_space<vmem>>
      %dma_start3A_539 = arith.constant 0 : i32
      %dma_start3A_540 = tpu.memref_slice %arg5[%add3A_533, %dma_start3A_539] : memref<512x50xi32, #tpu.memory_space<vmem>> -> memref<1x50xi32, #tpu.memory_space<vmem>>
      %dma_start3A_541 = tpu.memref_squeeze %dma_start3A_540 : memref<1x50xi32, #tpu.memory_space<vmem>> -> memref<50xi32, #tpu.memory_space<vmem>>
      %dma_start3A_542 = arith.constant 0 : i32
      %dma_start3A_543 = arith.constant 0 : i32
      %dma_start3A_544 = tpu.memref_slice %arg3[%dma_start3A_542, %dma_start3A_543] : memref<1000000x64xf32, #tpu.memory_space<hbm>> -> memref<1000000x64xf32, #tpu.memory_space<hbm>>
      tpu.enqueue_indirect_dma source(%dma_start3A_544 : memref<1000000x64xf32, #tpu.memory_space<hbm>>) target(%dma_start3A_538 : memref<50x64xf32, #tpu.memory_space<vmem>>) offsets(%dma_start3A_541 : memref<50xi32, #tpu.memory_space<vmem>>) semaphore(%arg10 : memref<!tpu.dma_semaphore, #tpu.memory_space<semaphore_mem>>)
      %mul3A_545 = arith.constant 8 : i32
      %mul3A_546 = arith.muli %add3A_499, %mul3A_545 : i32
      %add3A_547 = arith.constant 3 : i32
      %add3A_548 = arith.addi %mul3A_546, %add3A_547 : i32
      %dma_start3A_549 = arith.constant 3 : i32
      %dma_start3A_550 = arith.constant 0 : i32
      %dma_start3A_551 = arith.constant 0 : i32
      %dma_start3A_552 = tpu.memref_slice %arg7[%dma_start3A_549, %dma_start3A_550, %dma_start3A_551] : memref<8x50x64xf32, #tpu.memory_space<vmem>> -> memref<1x50x64xf32, #tpu.memory_space<vmem>>
      %dma_start3A_553 = tpu.memref_squeeze %dma_start3A_552 : memref<1x50x64xf32, #tpu.memory_space<vmem>> -> memref<50x64xf32, #tpu.memory_space<vmem>>
      %dma_start3A_554 = arith.constant 0 : i32
      %dma_start3A_555 = tpu.memref_slice %arg5[%add3A_548, %dma_start3A_554] : memref<512x50xi32, #tpu.memory_space<vmem>> -> memref<1x50xi32, #tpu.memory_space<vmem>>
      %dma_start3A_556 = tpu.memref_squeeze %dma_start3A_555 : memref<1x50xi32, #tpu.memory_space<vmem>> -> memref<50xi32, #tpu.memory_space<vmem>>
      %dma_start3A_557 = arith.constant 0 : i32
      %dma_start3A_558 = arith.constant 0 : i32
      %dma_start3A_559 = tpu.memref_slice %arg3[%dma_start3A_557, %dma_start3A_558] : memref<1000000x64xf32, #tpu.memory_space<hbm>> -> memref<1000000x64xf32, #tpu.memory_space<hbm>>
      tpu.enqueue_indirect_dma source(%dma_start3A_559 : memref<1000000x64xf32, #tpu.memory_space<hbm>>) target(%dma_start3A_553 : memref<50x64xf32, #tpu.memory_space<vmem>>) offsets(%dma_start3A_556 : memref<50xi32, #tpu.memory_space<vmem>>) semaphore(%arg10 : memref<!tpu.dma_semaphore, #tpu.memory_space<semaphore_mem>>)
      %mul3A_560 = arith.constant 8 : i32
      %mul3A_561 = arith.muli %add3A_499, %mul3A_560 : i32
      %add3A_562 = arith.constant 4 : i32
      %add3A_563 = arith.addi %mul3A_561, %add3A_562 : i32
      %dma_start3A_564 = arith.constant 4 : i32
      %dma_start3A_565 = arith.constant 0 : i32
      %dma_start3A_566 = arith.constant 0 : i32
      %dma_start3A_567 = tpu.memref_slice %arg7[%dma_start3A_564, %dma_start3A_565, %dma_start3A_566] : memref<8x50x64xf32, #tpu.memory_space<vmem>> -> memref<1x50x64xf32, #tpu.memory_space<vmem>>
      %dma_start3A_568 = tpu.memref_squeeze %dma_start3A_567 : memref<1x50x64xf32, #tpu.memory_space<vmem>> -> memref<50x64xf32, #tpu.memory_space<vmem>>
      %dma_start3A_569 = arith.constant 0 : i32
      %dma_start3A_570 = tpu.memref_slice %arg5[%add3A_563, %dma_start3A_569] : memref<512x50xi32, #tpu.memory_space<vmem>> -> memref<1x50xi32, #tpu.memory_space<vmem>>
      %dma_start3A_571 = tpu.memref_squeeze %dma_start3A_570 : memref<1x50xi32, #tpu.memory_space<vmem>> -> memref<50xi32, #tpu.memory_space<vmem>>
      %dma_start3A_572 = arith.constant 0 : i32
      %dma_start3A_573 = arith.constant 0 : i32
      %dma_start3A_574 = tpu.memref_slice %arg3[%dma_start3A_572, %dma_start3A_573] : memref<1000000x64xf32, #tpu.memory_space<hbm>> -> memref<1000000x64xf32, #tpu.memory_space<hbm>>
      tpu.enqueue_indirect_dma source(%dma_start3A_574 : memref<1000000x64xf32, #tpu.memory_space<hbm>>) target(%dma_start3A_568 : memref<50x64xf32, #tpu.memory_space<vmem>>) offsets(%dma_start3A_571 : memref<50xi32, #tpu.memory_space<vmem>>) semaphore(%arg10 : memref<!tpu.dma_semaphore, #tpu.memory_space<semaphore_mem>>)
      %mul3A_575 = arith.constant 8 : i32
      %mul3A_576 = arith.muli %add3A_499, %mul3A_575 : i32
      %add3A_577 = arith.constant 5 : i32
      %add3A_578 = arith.addi %mul3A_576, %add3A_577 : i32
      %dma_start3A_579 = arith.constant 5 : i32
      %dma_start3A_580 = arith.constant 0 : i32
      %dma_start3A_581 = arith.constant 0 : i32
      %dma_start3A_582 = tpu.memref_slice %arg7[%dma_start3A_579, %dma_start3A_580, %dma_start3A_581] : memref<8x50x64xf32, #tpu.memory_space<vmem>> -> memref<1x50x64xf32, #tpu.memory_space<vmem>>
      %dma_start3A_583 = tpu.memref_squeeze %dma_start3A_582 : memref<1x50x64xf32, #tpu.memory_space<vmem>> -> memref<50x64xf32, #tpu.memory_space<vmem>>
      %dma_start3A_584 = arith.constant 0 : i32
      %dma_start3A_585 = tpu.memref_slice %arg5[%add3A_578, %dma_start3A_584] : memref<512x50xi32, #tpu.memory_space<vmem>> -> memref<1x50xi32, #tpu.memory_space<vmem>>
      %dma_start3A_586 = tpu.memref_squeeze %dma_start3A_585 : memref<1x50xi32, #tpu.memory_space<vmem>> -> memref<50xi32, #tpu.memory_space<vmem>>
      %dma_start3A_587 = arith.constant 0 : i32
      %dma_start3A_588 = arith.constant 0 : i32
      %dma_start3A_589 = tpu.memref_slice %arg3[%dma_start3A_587, %dma_start3A_588] : memref<1000000x64xf32, #tpu.memory_space<hbm>> -> memref<1000000x64xf32, #tpu.memory_space<hbm>>
      tpu.enqueue_indirect_dma source(%dma_start3A_589 : memref<1000000x64xf32, #tpu.memory_space<hbm>>) target(%dma_start3A_583 : memref<50x64xf32, #tpu.memory_space<vmem>>) offsets(%dma_start3A_586 : memref<50xi32, #tpu.memory_space<vmem>>) semaphore(%arg10 : memref<!tpu.dma_semaphore, #tpu.memory_space<semaphore_mem>>)
      %mul3A_590 = arith.constant 8 : i32
      %mul3A_591 = arith.muli %add3A_499, %mul3A_590 : i32
      %add3A_592 = arith.constant 6 : i32
      %add3A_593 = arith.addi %mul3A_591, %add3A_592 : i32
      %dma_start3A_594 = arith.constant 6 : i32
      %dma_start3A_595 = arith.constant 0 : i32
      %dma_start3A_596 = arith.constant 0 : i32
      %dma_start3A_597 = tpu.memref_slice %arg7[%dma_start3A_594, %dma_start3A_595, %dma_start3A_596] : memref<8x50x64xf32, #tpu.memory_space<vmem>> -> memref<1x50x64xf32, #tpu.memory_space<vmem>>
      %dma_start3A_598 = tpu.memref_squeeze %dma_start3A_597 : memref<1x50x64xf32, #tpu.memory_space<vmem>> -> memref<50x64xf32, #tpu.memory_space<vmem>>
      %dma_start3A_599 = arith.constant 0 : i32
      %dma_start3A_600 = tpu.memref_slice %arg5[%add3A_593, %dma_start3A_599] : memref<512x50xi32, #tpu.memory_space<vmem>> -> memref<1x50xi32, #tpu.memory_space<vmem>>
      %dma_start3A_601 = tpu.memref_squeeze %dma_start3A_600 : memref<1x50xi32, #tpu.memory_space<vmem>> -> memref<50xi32, #tpu.memory_space<vmem>>
      %dma_start3A_602 = arith.constant 0 : i32
      %dma_start3A_603 = arith.constant 0 : i32
      %dma_start3A_604 = tpu.memref_slice %arg3[%dma_start3A_602, %dma_start3A_603] : memref<1000000x64xf32, #tpu.memory_space<hbm>> -> memref<1000000x64xf32, #tpu.memory_space<hbm>>
      tpu.enqueue_indirect_dma source(%dma_start3A_604 : memref<1000000x64xf32, #tpu.memory_space<hbm>>) target(%dma_start3A_598 : memref<50x64xf32, #tpu.memory_space<vmem>>) offsets(%dma_start3A_601 : memref<50xi32, #tpu.memory_space<vmem>>) semaphore(%arg10 : memref<!tpu.dma_semaphore, #tpu.memory_space<semaphore_mem>>)
      %mul3A_605 = arith.constant 8 : i32
      %mul3A_606 = arith.muli %add3A_499, %mul3A_605 : i32
      %add3A_607 = arith.constant 7 : i32
      %add3A_608 = arith.addi %mul3A_606, %add3A_607 : i32
      %dma_start3A_609 = arith.constant 7 : i32
      %dma_start3A_610 = arith.constant 0 : i32
      %dma_start3A_611 = arith.constant 0 : i32
      %dma_start3A_612 = tpu.memref_slice %arg7[%dma_start3A_609, %dma_start3A_610, %dma_start3A_611] : memref<8x50x64xf32, #tpu.memory_space<vmem>> -> memref<1x50x64xf32, #tpu.memory_space<vmem>>
      %dma_start3A_613 = tpu.memref_squeeze %dma_start3A_612 : memref<1x50x64xf32, #tpu.memory_space<vmem>> -> memref<50x64xf32, #tpu.memory_space<vmem>>
      %dma_start3A_614 = arith.constant 0 : i32
      %dma_start3A_615 = tpu.memref_slice %arg5[%add3A_608, %dma_start3A_614] : memref<512x50xi32, #tpu.memory_space<vmem>> -> memref<1x50xi32, #tpu.memory_space<vmem>>
      %dma_start3A_616 = tpu.memref_squeeze %dma_start3A_615 : memref<1x50xi32, #tpu.memory_space<vmem>> -> memref<50xi32, #tpu.memory_space<vmem>>
      %dma_start3A_617 = arith.constant 0 : i32
      %dma_start3A_618 = arith.constant 0 : i32
      %dma_start3A_619 = tpu.memref_slice %arg3[%dma_start3A_617, %dma_start3A_618] : memref<1000000x64xf32, #tpu.memory_space<hbm>> -> memref<1000000x64xf32, #tpu.memory_space<hbm>>
      tpu.enqueue_indirect_dma source(%dma_start3A_619 : memref<1000000x64xf32, #tpu.memory_space<hbm>>) target(%dma_start3A_613 : memref<50x64xf32, #tpu.memory_space<vmem>>) offsets(%dma_start3A_616 : memref<50xi32, #tpu.memory_space<vmem>>) semaphore(%arg10 : memref<!tpu.dma_semaphore, #tpu.memory_space<semaphore_mem>>)
      %add3A_620 = arith.constant 1 : i32
      %add3A_621 = arith.addi %add3A_474, %add3A_620 : i32
      %dma_wait3A_622 = arith.constant 0 : i32
      %dma_wait3A_623 = arith.constant 0 : i32
      %dma_wait3A_624 = tpu.memref_slice %arg4[%mul3A_2, %dma_wait3A_622, %dma_wait3A_623] : memref<16384x50x64xf32, #tpu.memory_space<hbm>> -> memref<8x50x64xf32, #tpu.memory_space<hbm>>
      %dma_wait3A_625 = arith.constant 0 : i32
      %dma_wait3A_626 = arith.constant 0 : i32
      %dma_wait3A_627 = tpu.memref_slice %arg4[%mul3A_2, %dma_wait3A_625, %dma_wait3A_626] : memref<16384x50x64xf32, #tpu.memory_space<hbm>> -> memref<8x50x64xf32, #tpu.memory_space<hbm>>
      tpu.wait_dma2 semaphore(%arg9 : memref<!tpu.dma_semaphore, #tpu.memory_space<semaphore_mem>>) src(%dma_wait3A_627 : memref<8x50x64xf32, #tpu.memory_space<hbm>>) dst(%arg6 : memref<8x50x64xf32, #tpu.memory_space<vmem>>)
      %mul3A_628 = arith.constant 8 : i32
      %mul3A_629 = arith.muli %add3A_621, %mul3A_628 : i32
      %add3A_630 = arith.addi %mul3A_2, %mul3A_629 : i32
      %dma_start3A_631 = arith.constant 0 : i32
      %dma_start3A_632 = arith.constant 0 : i32
      %dma_start3A_633 = tpu.memref_slice %arg4[%add3A_630, %dma_start3A_631, %dma_start3A_632] : memref<16384x50x64xf32, #tpu.memory_space<hbm>> -> memref<8x50x64xf32, #tpu.memory_space<hbm>>
      %dma_start3A_634 = arith.constant 0 : i32
      %dma_start3A_635 = arith.constant 0 : i32
      %dma_start3A_636 = tpu.memref_slice %arg4[%add3A_630, %dma_start3A_634, %dma_start3A_635] : memref<16384x50x64xf32, #tpu.memory_space<hbm>> -> memref<8x50x64xf32, #tpu.memory_space<hbm>>
      tpu.enqueue_dma source(%arg6 : memref<8x50x64xf32, #tpu.memory_space<vmem>>) target(%dma_start3A_636 : memref<8x50x64xf32, #tpu.memory_space<hbm>>) target_semaphore(%arg12 : memref<!tpu.dma_semaphore, #tpu.memory_space<semaphore_mem>>)
      %dma_wait3A_637 = arith.constant 0 : i32
      %dma_wait3A_638 = arith.constant 0 : i32
      %dma_wait3A_639 = tpu.memref_slice %arg4[%mul3A_2, %dma_wait3A_637, %dma_wait3A_638] : memref<16384x50x64xf32, #tpu.memory_space<hbm>> -> memref<8x50x64xf32, #tpu.memory_space<hbm>>
      %dma_wait3A_640 = arith.constant 0 : i32
      %dma_wait3A_641 = arith.constant 0 : i32
      %dma_wait3A_642 = tpu.memref_slice %arg4[%mul3A_2, %dma_wait3A_640, %dma_wait3A_641] : memref<16384x50x64xf32, #tpu.memory_space<hbm>> -> memref<8x50x64xf32, #tpu.memory_space<hbm>>
      tpu.wait_dma2 semaphore(%arg14 : memref<!tpu.dma_semaphore, #tpu.memory_space<semaphore_mem>>) src(%arg8 : memref<8x50x64xf32, #tpu.memory_space<vmem>>) dst(%dma_wait3A_642 : memref<8x50x64xf32, #tpu.memory_space<hbm>>)
      %add3A_643 = arith.constant 2 : i32
      %add3A_644 = arith.addi %add3A_621, %add3A_643 : i32
      %mul3A_645 = arith.constant 8 : i32
      %mul3A_646 = arith.muli %add3A_644, %mul3A_645 : i32
      %add3A_647 = arith.constant 0 : i32
      %add3A_648 = arith.addi %mul3A_646, %add3A_647 : i32
      %dma_start3A_649 = arith.constant 0 : i32
      %dma_start3A_650 = arith.constant 0 : i32
      %dma_start3A_651 = arith.constant 0 : i32
      %dma_start3A_652 = tpu.memref_slice %arg8[%dma_start3A_649, %dma_start3A_650, %dma_start3A_651] : memref<8x50x64xf32, #tpu.memory_space<vmem>> -> memref<1x50x64xf32, #tpu.memory_space<vmem>>
      %dma_start3A_653 = tpu.memref_squeeze %dma_start3A_652 : memref<1x50x64xf32, #tpu.memory_space<vmem>> -> memref<50x64xf32, #tpu.memory_space<vmem>>
      %dma_start3A_654 = arith.constant 0 : i32
      %dma_start3A_655 = tpu.memref_slice %arg5[%add3A_648, %dma_start3A_654] : memref<512x50xi32, #tpu.memory_space<vmem>> -> memref<1x50xi32, #tpu.memory_space<vmem>>
      %dma_start3A_656 = tpu.memref_squeeze %dma_start3A_655 : memref<1x50xi32, #tpu.memory_space<vmem>> -> memref<50xi32, #tpu.memory_space<vmem>>
      %dma_start3A_657 = arith.constant 0 : i32
      %dma_start3A_658 = arith.constant 0 : i32
      %dma_start3A_659 = tpu.memref_slice %arg3[%dma_start3A_657, %dma_start3A_658] : memref<1000000x64xf32, #tpu.memory_space<hbm>> -> memref<1000000x64xf32, #tpu.memory_space<hbm>>
      tpu.enqueue_indirect_dma source(%dma_start3A_659 : memref<1000000x64xf32, #tpu.memory_space<hbm>>) target(%dma_start3A_653 : memref<50x64xf32, #tpu.memory_space<vmem>>) offsets(%dma_start3A_656 : memref<50xi32, #tpu.memory_space<vmem>>) semaphore(%arg11 : memref<!tpu.dma_semaphore, #tpu.memory_space<semaphore_mem>>)
      %mul3A_660 = arith.constant 8 : i32
      %mul3A_661 = arith.muli %add3A_644, %mul3A_660 : i32
      %add3A_662 = arith.constant 1 : i32
      %add3A_663 = arith.addi %mul3A_661, %add3A_662 : i32
      %dma_start3A_664 = arith.constant 1 : i32
      %dma_start3A_665 = arith.constant 0 : i32
      %dma_start3A_666 = arith.constant 0 : i32
      %dma_start3A_667 = tpu.memref_slice %arg8[%dma_start3A_664, %dma_start3A_665, %dma_start3A_666] : memref<8x50x64xf32, #tpu.memory_space<vmem>> -> memref<1x50x64xf32, #tpu.memory_space<vmem>>
      %dma_start3A_668 = tpu.memref_squeeze %dma_start3A_667 : memref<1x50x64xf32, #tpu.memory_space<vmem>> -> memref<50x64xf32, #tpu.memory_space<vmem>>
      %dma_start3A_669 = arith.constant 0 : i32
      %dma_start3A_670 = tpu.memref_slice %arg5[%add3A_663, %dma_start3A_669] : memref<512x50xi32, #tpu.memory_space<vmem>> -> memref<1x50xi32, #tpu.memory_space<vmem>>
      %dma_start3A_671 = tpu.memref_squeeze %dma_start3A_670 : memref<1x50xi32, #tpu.memory_space<vmem>> -> memref<50xi32, #tpu.memory_space<vmem>>
      %dma_start3A_672 = arith.constant 0 : i32
      %dma_start3A_673 = arith.constant 0 : i32
      %dma_start3A_674 = tpu.memref_slice %arg3[%dma_start3A_672, %dma_start3A_673] : memref<1000000x64xf32, #tpu.memory_space<hbm>> -> memref<1000000x64xf32, #tpu.memory_space<hbm>>
      tpu.enqueue_indirect_dma source(%dma_start3A_674 : memref<1000000x64xf32, #tpu.memory_space<hbm>>) target(%dma_start3A_668 : memref<50x64xf32, #tpu.memory_space<vmem>>) offsets(%dma_start3A_671 : memref<50xi32, #tpu.memory_space<vmem>>) semaphore(%arg11 : memref<!tpu.dma_semaphore, #tpu.memory_space<semaphore_mem>>)
      %mul3A_675 = arith.constant 8 : i32
      %mul3A_676 = arith.muli %add3A_644, %mul3A_675 : i32
      %add3A_677 = arith.constant 2 : i32
      %add3A_678 = arith.addi %mul3A_676, %add3A_677 : i32
      %dma_start3A_679 = arith.constant 2 : i32
      %dma_start3A_680 = arith.constant 0 : i32
      %dma_start3A_681 = arith.constant 0 : i32
      %dma_start3A_682 = tpu.memref_slice %arg8[%dma_start3A_679, %dma_start3A_680, %dma_start3A_681] : memref<8x50x64xf32, #tpu.memory_space<vmem>> -> memref<1x50x64xf32, #tpu.memory_space<vmem>>
      %dma_start3A_683 = tpu.memref_squeeze %dma_start3A_682 : memref<1x50x64xf32, #tpu.memory_space<vmem>> -> memref<50x64xf32, #tpu.memory_space<vmem>>
      %dma_start3A_684 = arith.constant 0 : i32
      %dma_start3A_685 = tpu.memref_slice %arg5[%add3A_678, %dma_start3A_684] : memref<512x50xi32, #tpu.memory_space<vmem>> -> memref<1x50xi32, #tpu.memory_space<vmem>>
      %dma_start3A_686 = tpu.memref_squeeze %dma_start3A_685 : memref<1x50xi32, #tpu.memory_space<vmem>> -> memref<50xi32, #tpu.memory_space<vmem>>
      %dma_start3A_687 = arith.constant 0 : i32
      %dma_start3A_688 = arith.constant 0 : i32
      %dma_start3A_689 = tpu.memref_slice %arg3[%dma_start3A_687, %dma_start3A_688] : memref<1000000x64xf32, #tpu.memory_space<hbm>> -> memref<1000000x64xf32, #tpu.memory_space<hbm>>
      tpu.enqueue_indirect_dma source(%dma_start3A_689 : memref<1000000x64xf32, #tpu.memory_space<hbm>>) target(%dma_start3A_683 : memref<50x64xf32, #tpu.memory_space<vmem>>) offsets(%dma_start3A_686 : memref<50xi32, #tpu.memory_space<vmem>>) semaphore(%arg11 : memref<!tpu.dma_semaphore, #tpu.memory_space<semaphore_mem>>)
      %mul3A_690 = arith.constant 8 : i32
      %mul3A_691 = arith.muli %add3A_644, %mul3A_690 : i32
      %add3A_692 = arith.constant 3 : i32
      %add3A_693 = arith.addi %mul3A_691, %add3A_692 : i32
      %dma_start3A_694 = arith.constant 3 : i32
      %dma_start3A_695 = arith.constant 0 : i32
      %dma_start3A_696 = arith.constant 0 : i32
      %dma_start3A_697 = tpu.memref_slice %arg8[%dma_start3A_694, %dma_start3A_695, %dma_start3A_696] : memref<8x50x64xf32, #tpu.memory_space<vmem>> -> memref<1x50x64xf32, #tpu.memory_space<vmem>>
      %dma_start3A_698 = tpu.memref_squeeze %dma_start3A_697 : memref<1x50x64xf32, #tpu.memory_space<vmem>> -> memref<50x64xf32, #tpu.memory_space<vmem>>
      %dma_start3A_699 = arith.constant 0 : i32
      %dma_start3A_700 = tpu.memref_slice %arg5[%add3A_693, %dma_start3A_699] : memref<512x50xi32, #tpu.memory_space<vmem>> -> memref<1x50xi32, #tpu.memory_space<vmem>>
      %dma_start3A_701 = tpu.memref_squeeze %dma_start3A_700 : memref<1x50xi32, #tpu.memory_space<vmem>> -> memref<50xi32, #tpu.memory_space<vmem>>
      %dma_start3A_702 = arith.constant 0 : i32
      %dma_start3A_703 = arith.constant 0 : i32
      %dma_start3A_704 = tpu.memref_slice %arg3[%dma_start3A_702, %dma_start3A_703] : memref<1000000x64xf32, #tpu.memory_space<hbm>> -> memref<1000000x64xf32, #tpu.memory_space<hbm>>
      tpu.enqueue_indirect_dma source(%dma_start3A_704 : memref<1000000x64xf32, #tpu.memory_space<hbm>>) target(%dma_start3A_698 : memref<50x64xf32, #tpu.memory_space<vmem>>) offsets(%dma_start3A_701 : memref<50xi32, #tpu.memory_space<vmem>>) semaphore(%arg11 : memref<!tpu.dma_semaphore, #tpu.memory_space<semaphore_mem>>)
      %mul3A_705 = arith.constant 8 : i32
      %mul3A_706 = arith.muli %add3A_644, %mul3A_705 : i32
      %add3A_707 = arith.constant 4 : i32
      %add3A_708 = arith.addi %mul3A_706, %add3A_707 : i32
      %dma_start3A_709 = arith.constant 4 : i32
      %dma_start3A_710 = arith.constant 0 : i32
      %dma_start3A_711 = arith.constant 0 : i32
      %dma_start3A_712 = tpu.memref_slice %arg8[%dma_start3A_709, %dma_start3A_710, %dma_start3A_711] : memref<8x50x64xf32, #tpu.memory_space<vmem>> -> memref<1x50x64xf32, #tpu.memory_space<vmem>>
      %dma_start3A_713 = tpu.memref_squeeze %dma_start3A_712 : memref<1x50x64xf32, #tpu.memory_space<vmem>> -> memref<50x64xf32, #tpu.memory_space<vmem>>
      %dma_start3A_714 = arith.constant 0 : i32
      %dma_start3A_715 = tpu.memref_slice %arg5[%add3A_708, %dma_start3A_714] : memref<512x50xi32, #tpu.memory_space<vmem>> -> memref<1x50xi32, #tpu.memory_space<vmem>>
      %dma_start3A_716 = tpu.memref_squeeze %dma_start3A_715 : memref<1x50xi32, #tpu.memory_space<vmem>> -> memref<50xi32, #tpu.memory_space<vmem>>
      %dma_start3A_717 = arith.constant 0 : i32
      %dma_start3A_718 = arith.constant 0 : i32
      %dma_start3A_719 = tpu.memref_slice %arg3[%dma_start3A_717, %dma_start3A_718] : memref<1000000x64xf32, #tpu.memory_space<hbm>> -> memref<1000000x64xf32, #tpu.memory_space<hbm>>
      tpu.enqueue_indirect_dma source(%dma_start3A_719 : memref<1000000x64xf32, #tpu.memory_space<hbm>>) target(%dma_start3A_713 : memref<50x64xf32, #tpu.memory_space<vmem>>) offsets(%dma_start3A_716 : memref<50xi32, #tpu.memory_space<vmem>>) semaphore(%arg11 : memref<!tpu.dma_semaphore, #tpu.memory_space<semaphore_mem>>)
      %mul3A_720 = arith.constant 8 : i32
      %mul3A_721 = arith.muli %add3A_644, %mul3A_720 : i32
      %add3A_722 = arith.constant 5 : i32
      %add3A_723 = arith.addi %mul3A_721, %add3A_722 : i32
      %dma_start3A_724 = arith.constant 5 : i32
      %dma_start3A_725 = arith.constant 0 : i32
      %dma_start3A_726 = arith.constant 0 : i32
      %dma_start3A_727 = tpu.memref_slice %arg8[%dma_start3A_724, %dma_start3A_725, %dma_start3A_726] : memref<8x50x64xf32, #tpu.memory_space<vmem>> -> memref<1x50x64xf32, #tpu.memory_space<vmem>>
      %dma_start3A_728 = tpu.memref_squeeze %dma_start3A_727 : memref<1x50x64xf32, #tpu.memory_space<vmem>> -> memref<50x64xf32, #tpu.memory_space<vmem>>
      %dma_start3A_729 = arith.constant 0 : i32
      %dma_start3A_730 = tpu.memref_slice %arg5[%add3A_723, %dma_start3A_729] : memref<512x50xi32, #tpu.memory_space<vmem>> -> memref<1x50xi32, #tpu.memory_space<vmem>>
      %dma_start3A_731 = tpu.memref_squeeze %dma_start3A_730 : memref<1x50xi32, #tpu.memory_space<vmem>> -> memref<50xi32, #tpu.memory_space<vmem>>
      %dma_start3A_732 = arith.constant 0 : i32
      %dma_start3A_733 = arith.constant 0 : i32
      %dma_start3A_734 = tpu.memref_slice %arg3[%dma_start3A_732, %dma_start3A_733] : memref<1000000x64xf32, #tpu.memory_space<hbm>> -> memref<1000000x64xf32, #tpu.memory_space<hbm>>
      tpu.enqueue_indirect_dma source(%dma_start3A_734 : memref<1000000x64xf32, #tpu.memory_space<hbm>>) target(%dma_start3A_728 : memref<50x64xf32, #tpu.memory_space<vmem>>) offsets(%dma_start3A_731 : memref<50xi32, #tpu.memory_space<vmem>>) semaphore(%arg11 : memref<!tpu.dma_semaphore, #tpu.memory_space<semaphore_mem>>)
      %mul3A_735 = arith.constant 8 : i32
      %mul3A_736 = arith.muli %add3A_644, %mul3A_735 : i32
      %add3A_737 = arith.constant 6 : i32
      %add3A_738 = arith.addi %mul3A_736, %add3A_737 : i32
      %dma_start3A_739 = arith.constant 6 : i32
      %dma_start3A_740 = arith.constant 0 : i32
      %dma_start3A_741 = arith.constant 0 : i32
      %dma_start3A_742 = tpu.memref_slice %arg8[%dma_start3A_739, %dma_start3A_740, %dma_start3A_741] : memref<8x50x64xf32, #tpu.memory_space<vmem>> -> memref<1x50x64xf32, #tpu.memory_space<vmem>>
      %dma_start3A_743 = tpu.memref_squeeze %dma_start3A_742 : memref<1x50x64xf32, #tpu.memory_space<vmem>> -> memref<50x64xf32, #tpu.memory_space<vmem>>
      %dma_start3A_744 = arith.constant 0 : i32
      %dma_start3A_745 = tpu.memref_slice %arg5[%add3A_738, %dma_start3A_744] : memref<512x50xi32, #tpu.memory_space<vmem>> -> memref<1x50xi32, #tpu.memory_space<vmem>>
      %dma_start3A_746 = tpu.memref_squeeze %dma_start3A_745 : memref<1x50xi32, #tpu.memory_space<vmem>> -> memref<50xi32, #tpu.memory_space<vmem>>
      %dma_start3A_747 = arith.constant 0 : i32
      %dma_start3A_748 = arith.constant 0 : i32
      %dma_start3A_749 = tpu.memref_slice %arg3[%dma_start3A_747, %dma_start3A_748] : memref<1000000x64xf32, #tpu.memory_space<hbm>> -> memref<1000000x64xf32, #tpu.memory_space<hbm>>
      tpu.enqueue_indirect_dma source(%dma_start3A_749 : memref<1000000x64xf32, #tpu.memory_space<hbm>>) target(%dma_start3A_743 : memref<50x64xf32, #tpu.memory_space<vmem>>) offsets(%dma_start3A_746 : memref<50xi32, #tpu.memory_space<vmem>>) semaphore(%arg11 : memref<!tpu.dma_semaphore, #tpu.memory_space<semaphore_mem>>)
      %mul3A_750 = arith.constant 8 : i32
      %mul3A_751 = arith.muli %add3A_644, %mul3A_750 : i32
      %add3A_752 = arith.constant 7 : i32
      %add3A_753 = arith.addi %mul3A_751, %add3A_752 : i32
      %dma_start3A_754 = arith.constant 7 : i32
      %dma_start3A_755 = arith.constant 0 : i32
      %dma_start3A_756 = arith.constant 0 : i32
      %dma_start3A_757 = tpu.memref_slice %arg8[%dma_start3A_754, %dma_start3A_755, %dma_start3A_756] : memref<8x50x64xf32, #tpu.memory_space<vmem>> -> memref<1x50x64xf32, #tpu.memory_space<vmem>>
      %dma_start3A_758 = tpu.memref_squeeze %dma_start3A_757 : memref<1x50x64xf32, #tpu.memory_space<vmem>> -> memref<50x64xf32, #tpu.memory_space<vmem>>
      %dma_start3A_759 = arith.constant 0 : i32
      %dma_start3A_760 = tpu.memref_slice %arg5[%add3A_753, %dma_start3A_759] : memref<512x50xi32, #tpu.memory_space<vmem>> -> memref<1x50xi32, #tpu.memory_space<vmem>>
      %dma_start3A_761 = tpu.memref_squeeze %dma_start3A_760 : memref<1x50xi32, #tpu.memory_space<vmem>> -> memref<50xi32, #tpu.memory_space<vmem>>
      %dma_start3A_762 = arith.constant 0 : i32
      %dma_start3A_763 = arith.constant 0 : i32
      %dma_start3A_764 = tpu.memref_slice %arg3[%dma_start3A_762, %dma_start3A_763] : memref<1000000x64xf32, #tpu.memory_space<hbm>> -> memref<1000000x64xf32, #tpu.memory_space<hbm>>
      tpu.enqueue_indirect_dma source(%dma_start3A_764 : memref<1000000x64xf32, #tpu.memory_space<hbm>>) target(%dma_start3A_758 : memref<50x64xf32, #tpu.memory_space<vmem>>) offsets(%dma_start3A_761 : memref<50xi32, #tpu.memory_space<vmem>>) semaphore(%arg11 : memref<!tpu.dma_semaphore, #tpu.memory_space<semaphore_mem>>)
      %add3A_765 = arith.constant 2 : i32
      %add3A_766 = arith.addi %add3A_474, %add3A_765 : i32
      %dma_wait3A_767 = arith.constant 0 : i32
      %dma_wait3A_768 = arith.constant 0 : i32
      %dma_wait3A_769 = tpu.memref_slice %arg4[%mul3A_2, %dma_wait3A_767, %dma_wait3A_768] : memref<16384x50x64xf32, #tpu.memory_space<hbm>> -> memref<8x50x64xf32, #tpu.memory_space<hbm>>
      %dma_wait3A_770 = arith.constant 0 : i32
      %dma_wait3A_771 = arith.constant 0 : i32
      %dma_wait3A_772 = tpu.memref_slice %arg4[%mul3A_2, %dma_wait3A_770, %dma_wait3A_771] : memref<16384x50x64xf32, #tpu.memory_space<hbm>> -> memref<8x50x64xf32, #tpu.memory_space<hbm>>
      tpu.wait_dma2 semaphore(%arg10 : memref<!tpu.dma_semaphore, #tpu.memory_space<semaphore_mem>>) src(%dma_wait3A_772 : memref<8x50x64xf32, #tpu.memory_space<hbm>>) dst(%arg7 : memref<8x50x64xf32, #tpu.memory_space<vmem>>)
      %mul3A_773 = arith.constant 8 : i32
      %mul3A_774 = arith.muli %add3A_766, %mul3A_773 : i32
      %add3A_775 = arith.addi %mul3A_2, %mul3A_774 : i32
      %dma_start3A_776 = arith.constant 0 : i32
      %dma_start3A_777 = arith.constant 0 : i32
      %dma_start3A_778 = tpu.memref_slice %arg4[%add3A_775, %dma_start3A_776, %dma_start3A_777] : memref<16384x50x64xf32, #tpu.memory_space<hbm>> -> memref<8x50x64xf32, #tpu.memory_space<hbm>>
      %dma_start3A_779 = arith.constant 0 : i32
      %dma_start3A_780 = arith.constant 0 : i32
      %dma_start3A_781 = tpu.memref_slice %arg4[%add3A_775, %dma_start3A_779, %dma_start3A_780] : memref<16384x50x64xf32, #tpu.memory_space<hbm>> -> memref<8x50x64xf32, #tpu.memory_space<hbm>>
      tpu.enqueue_dma source(%arg7 : memref<8x50x64xf32, #tpu.memory_space<vmem>>) target(%dma_start3A_781 : memref<8x50x64xf32, #tpu.memory_space<hbm>>) target_semaphore(%arg13 : memref<!tpu.dma_semaphore, #tpu.memory_space<semaphore_mem>>)
      %dma_wait3A_782 = arith.constant 0 : i32
      %dma_wait3A_783 = arith.constant 0 : i32
      %dma_wait3A_784 = tpu.memref_slice %arg4[%mul3A_2, %dma_wait3A_782, %dma_wait3A_783] : memref<16384x50x64xf32, #tpu.memory_space<hbm>> -> memref<8x50x64xf32, #tpu.memory_space<hbm>>
      %dma_wait3A_785 = arith.constant 0 : i32
      %dma_wait3A_786 = arith.constant 0 : i32
      %dma_wait3A_787 = tpu.memref_slice %arg4[%mul3A_2, %dma_wait3A_785, %dma_wait3A_786] : memref<16384x50x64xf32, #tpu.memory_space<hbm>> -> memref<8x50x64xf32, #tpu.memory_space<hbm>>
      tpu.wait_dma2 semaphore(%arg12 : memref<!tpu.dma_semaphore, #tpu.memory_space<semaphore_mem>>) src(%arg6 : memref<8x50x64xf32, #tpu.memory_space<vmem>>) dst(%dma_wait3A_787 : memref<8x50x64xf32, #tpu.memory_space<hbm>>)
      %add3A_788 = arith.constant 2 : i32
      %add3A_789 = arith.addi %add3A_766, %add3A_788 : i32
      %mul3A_790 = arith.constant 8 : i32
      %mul3A_791 = arith.muli %add3A_789, %mul3A_790 : i32
      %add3A_792 = arith.constant 0 : i32
      %add3A_793 = arith.addi %mul3A_791, %add3A_792 : i32
      %dma_start3A_794 = arith.constant 0 : i32
      %dma_start3A_795 = arith.constant 0 : i32
      %dma_start3A_796 = arith.constant 0 : i32
      %dma_start3A_797 = tpu.memref_slice %arg6[%dma_start3A_794, %dma_start3A_795, %dma_start3A_796] : memref<8x50x64xf32, #tpu.memory_space<vmem>> -> memref<1x50x64xf32, #tpu.memory_space<vmem>>
      %dma_start3A_798 = tpu.memref_squeeze %dma_start3A_797 : memref<1x50x64xf32, #tpu.memory_space<vmem>> -> memref<50x64xf32, #tpu.memory_space<vmem>>
      %dma_start3A_799 = arith.constant 0 : i32
      %dma_start3A_800 = tpu.memref_slice %arg5[%add3A_793, %dma_start3A_799] : memref<512x50xi32, #tpu.memory_space<vmem>> -> memref<1x50xi32, #tpu.memory_space<vmem>>
      %dma_start3A_801 = tpu.memref_squeeze %dma_start3A_800 : memref<1x50xi32, #tpu.memory_space<vmem>> -> memref<50xi32, #tpu.memory_space<vmem>>
      %dma_start3A_802 = arith.constant 0 : i32
      %dma_start3A_803 = arith.constant 0 : i32
      %dma_start3A_804 = tpu.memref_slice %arg3[%dma_start3A_802, %dma_start3A_803] : memref<1000000x64xf32, #tpu.memory_space<hbm>> -> memref<1000000x64xf32, #tpu.memory_space<hbm>>
      tpu.enqueue_indirect_dma source(%dma_start3A_804 : memref<1000000x64xf32, #tpu.memory_space<hbm>>) target(%dma_start3A_798 : memref<50x64xf32, #tpu.memory_space<vmem>>) offsets(%dma_start3A_801 : memref<50xi32, #tpu.memory_space<vmem>>) semaphore(%arg9 : memref<!tpu.dma_semaphore, #tpu.memory_space<semaphore_mem>>)
      %mul3A_805 = arith.constant 8 : i32
      %mul3A_806 = arith.muli %add3A_789, %mul3A_805 : i32
      %add3A_807 = arith.constant 1 : i32
      %add3A_808 = arith.addi %mul3A_806, %add3A_807 : i32
      %dma_start3A_809 = arith.constant 1 : i32
      %dma_start3A_810 = arith.constant 0 : i32
      %dma_start3A_811 = arith.constant 0 : i32
      %dma_start3A_812 = tpu.memref_slice %arg6[%dma_start3A_809, %dma_start3A_810, %dma_start3A_811] : memref<8x50x64xf32, #tpu.memory_space<vmem>> -> memref<1x50x64xf32, #tpu.memory_space<vmem>>
      %dma_start3A_813 = tpu.memref_squeeze %dma_start3A_812 : memref<1x50x64xf32, #tpu.memory_space<vmem>> -> memref<50x64xf32, #tpu.memory_space<vmem>>
      %dma_start3A_814 = arith.constant 0 : i32
      %dma_start3A_815 = tpu.memref_slice %arg5[%add3A_808, %dma_start3A_814] : memref<512x50xi32, #tpu.memory_space<vmem>> -> memref<1x50xi32, #tpu.memory_space<vmem>>
      %dma_start3A_816 = tpu.memref_squeeze %dma_start3A_815 : memref<1x50xi32, #tpu.memory_space<vmem>> -> memref<50xi32, #tpu.memory_space<vmem>>
      %dma_start3A_817 = arith.constant 0 : i32
      %dma_start3A_818 = arith.constant 0 : i32
      %dma_start3A_819 = tpu.memref_slice %arg3[%dma_start3A_817, %dma_start3A_818] : memref<1000000x64xf32, #tpu.memory_space<hbm>> -> memref<1000000x64xf32, #tpu.memory_space<hbm>>
      tpu.enqueue_indirect_dma source(%dma_start3A_819 : memref<1000000x64xf32, #tpu.memory_space<hbm>>) target(%dma_start3A_813 : memref<50x64xf32, #tpu.memory_space<vmem>>) offsets(%dma_start3A_816 : memref<50xi32, #tpu.memory_space<vmem>>) semaphore(%arg9 : memref<!tpu.dma_semaphore, #tpu.memory_space<semaphore_mem>>)
      %mul3A_820 = arith.constant 8 : i32
      %mul3A_821 = arith.muli %add3A_789, %mul3A_820 : i32
      %add3A_822 = arith.constant 2 : i32
      %add3A_823 = arith.addi %mul3A_821, %add3A_822 : i32
      %dma_start3A_824 = arith.constant 2 : i32
      %dma_start3A_825 = arith.constant 0 : i32
      %dma_start3A_826 = arith.constant 0 : i32
      %dma_start3A_827 = tpu.memref_slice %arg6[%dma_start3A_824, %dma_start3A_825, %dma_start3A_826] : memref<8x50x64xf32, #tpu.memory_space<vmem>> -> memref<1x50x64xf32, #tpu.memory_space<vmem>>
      %dma_start3A_828 = tpu.memref_squeeze %dma_start3A_827 : memref<1x50x64xf32, #tpu.memory_space<vmem>> -> memref<50x64xf32, #tpu.memory_space<vmem>>
      %dma_start3A_829 = arith.constant 0 : i32
      %dma_start3A_830 = tpu.memref_slice %arg5[%add3A_823, %dma_start3A_829] : memref<512x50xi32, #tpu.memory_space<vmem>> -> memref<1x50xi32, #tpu.memory_space<vmem>>
      %dma_start3A_831 = tpu.memref_squeeze %dma_start3A_830 : memref<1x50xi32, #tpu.memory_space<vmem>> -> memref<50xi32, #tpu.memory_space<vmem>>
      %dma_start3A_832 = arith.constant 0 : i32
      %dma_start3A_833 = arith.constant 0 : i32
      %dma_start3A_834 = tpu.memref_slice %arg3[%dma_start3A_832, %dma_start3A_833] : memref<1000000x64xf32, #tpu.memory_space<hbm>> -> memref<1000000x64xf32, #tpu.memory_space<hbm>>
      tpu.enqueue_indirect_dma source(%dma_start3A_834 : memref<1000000x64xf32, #tpu.memory_space<hbm>>) target(%dma_start3A_828 : memref<50x64xf32, #tpu.memory_space<vmem>>) offsets(%dma_start3A_831 : memref<50xi32, #tpu.memory_space<vmem>>) semaphore(%arg9 : memref<!tpu.dma_semaphore, #tpu.memory_space<semaphore_mem>>)
      %mul3A_835 = arith.constant 8 : i32
      %mul3A_836 = arith.muli %add3A_789, %mul3A_835 : i32
      %add3A_837 = arith.constant 3 : i32
      %add3A_838 = arith.addi %mul3A_836, %add3A_837 : i32
      %dma_start3A_839 = arith.constant 3 : i32
      %dma_start3A_840 = arith.constant 0 : i32
      %dma_start3A_841 = arith.constant 0 : i32
      %dma_start3A_842 = tpu.memref_slice %arg6[%dma_start3A_839, %dma_start3A_840, %dma_start3A_841] : memref<8x50x64xf32, #tpu.memory_space<vmem>> -> memref<1x50x64xf32, #tpu.memory_space<vmem>>
      %dma_start3A_843 = tpu.memref_squeeze %dma_start3A_842 : memref<1x50x64xf32, #tpu.memory_space<vmem>> -> memref<50x64xf32, #tpu.memory_space<vmem>>
      %dma_start3A_844 = arith.constant 0 : i32
      %dma_start3A_845 = tpu.memref_slice %arg5[%add3A_838, %dma_start3A_844] : memref<512x50xi32, #tpu.memory_space<vmem>> -> memref<1x50xi32, #tpu.memory_space<vmem>>
      %dma_start3A_846 = tpu.memref_squeeze %dma_start3A_845 : memref<1x50xi32, #tpu.memory_space<vmem>> -> memref<50xi32, #tpu.memory_space<vmem>>
      %dma_start3A_847 = arith.constant 0 : i32
      %dma_start3A_848 = arith.constant 0 : i32
      %dma_start3A_849 = tpu.memref_slice %arg3[%dma_start3A_847, %dma_start3A_848] : memref<1000000x64xf32, #tpu.memory_space<hbm>> -> memref<1000000x64xf32, #tpu.memory_space<hbm>>
      tpu.enqueue_indirect_dma source(%dma_start3A_849 : memref<1000000x64xf32, #tpu.memory_space<hbm>>) target(%dma_start3A_843 : memref<50x64xf32, #tpu.memory_space<vmem>>) offsets(%dma_start3A_846 : memref<50xi32, #tpu.memory_space<vmem>>) semaphore(%arg9 : memref<!tpu.dma_semaphore, #tpu.memory_space<semaphore_mem>>)
      %mul3A_850 = arith.constant 8 : i32
      %mul3A_851 = arith.muli %add3A_789, %mul3A_850 : i32
      %add3A_852 = arith.constant 4 : i32
      %add3A_853 = arith.addi %mul3A_851, %add3A_852 : i32
      %dma_start3A_854 = arith.constant 4 : i32
      %dma_start3A_855 = arith.constant 0 : i32
      %dma_start3A_856 = arith.constant 0 : i32
      %dma_start3A_857 = tpu.memref_slice %arg6[%dma_start3A_854, %dma_start3A_855, %dma_start3A_856] : memref<8x50x64xf32, #tpu.memory_space<vmem>> -> memref<1x50x64xf32, #tpu.memory_space<vmem>>
      %dma_start3A_858 = tpu.memref_squeeze %dma_start3A_857 : memref<1x50x64xf32, #tpu.memory_space<vmem>> -> memref<50x64xf32, #tpu.memory_space<vmem>>
      %dma_start3A_859 = arith.constant 0 : i32
      %dma_start3A_860 = tpu.memref_slice %arg5[%add3A_853, %dma_start3A_859] : memref<512x50xi32, #tpu.memory_space<vmem>> -> memref<1x50xi32, #tpu.memory_space<vmem>>
      %dma_start3A_861 = tpu.memref_squeeze %dma_start3A_860 : memref<1x50xi32, #tpu.memory_space<vmem>> -> memref<50xi32, #tpu.memory_space<vmem>>
      %dma_start3A_862 = arith.constant 0 : i32
      %dma_start3A_863 = arith.constant 0 : i32
      %dma_start3A_864 = tpu.memref_slice %arg3[%dma_start3A_862, %dma_start3A_863] : memref<1000000x64xf32, #tpu.memory_space<hbm>> -> memref<1000000x64xf32, #tpu.memory_space<hbm>>
      tpu.enqueue_indirect_dma source(%dma_start3A_864 : memref<1000000x64xf32, #tpu.memory_space<hbm>>) target(%dma_start3A_858 : memref<50x64xf32, #tpu.memory_space<vmem>>) offsets(%dma_start3A_861 : memref<50xi32, #tpu.memory_space<vmem>>) semaphore(%arg9 : memref<!tpu.dma_semaphore, #tpu.memory_space<semaphore_mem>>)
      %mul3A_865 = arith.constant 8 : i32
      %mul3A_866 = arith.muli %add3A_789, %mul3A_865 : i32
      %add3A_867 = arith.constant 5 : i32
      %add3A_868 = arith.addi %mul3A_866, %add3A_867 : i32
      %dma_start3A_869 = arith.constant 5 : i32
      %dma_start3A_870 = arith.constant 0 : i32
      %dma_start3A_871 = arith.constant 0 : i32
      %dma_start3A_872 = tpu.memref_slice %arg6[%dma_start3A_869, %dma_start3A_870, %dma_start3A_871] : memref<8x50x64xf32, #tpu.memory_space<vmem>> -> memref<1x50x64xf32, #tpu.memory_space<vmem>>
      %dma_start3A_873 = tpu.memref_squeeze %dma_start3A_872 : memref<1x50x64xf32, #tpu.memory_space<vmem>> -> memref<50x64xf32, #tpu.memory_space<vmem>>
      %dma_start3A_874 = arith.constant 0 : i32
      %dma_start3A_875 = tpu.memref_slice %arg5[%add3A_868, %dma_start3A_874] : memref<512x50xi32, #tpu.memory_space<vmem>> -> memref<1x50xi32, #tpu.memory_space<vmem>>
      %dma_start3A_876 = tpu.memref_squeeze %dma_start3A_875 : memref<1x50xi32, #tpu.memory_space<vmem>> -> memref<50xi32, #tpu.memory_space<vmem>>
      %dma_start3A_877 = arith.constant 0 : i32
      %dma_start3A_878 = arith.constant 0 : i32
      %dma_start3A_879 = tpu.memref_slice %arg3[%dma_start3A_877, %dma_start3A_878] : memref<1000000x64xf32, #tpu.memory_space<hbm>> -> memref<1000000x64xf32, #tpu.memory_space<hbm>>
      tpu.enqueue_indirect_dma source(%dma_start3A_879 : memref<1000000x64xf32, #tpu.memory_space<hbm>>) target(%dma_start3A_873 : memref<50x64xf32, #tpu.memory_space<vmem>>) offsets(%dma_start3A_876 : memref<50xi32, #tpu.memory_space<vmem>>) semaphore(%arg9 : memref<!tpu.dma_semaphore, #tpu.memory_space<semaphore_mem>>)
      %mul3A_880 = arith.constant 8 : i32
      %mul3A_881 = arith.muli %add3A_789, %mul3A_880 : i32
      %add3A_882 = arith.constant 6 : i32
      %add3A_883 = arith.addi %mul3A_881, %add3A_882 : i32
      %dma_start3A_884 = arith.constant 6 : i32
      %dma_start3A_885 = arith.constant 0 : i32
      %dma_start3A_886 = arith.constant 0 : i32
      %dma_start3A_887 = tpu.memref_slice %arg6[%dma_start3A_884, %dma_start3A_885, %dma_start3A_886] : memref<8x50x64xf32, #tpu.memory_space<vmem>> -> memref<1x50x64xf32, #tpu.memory_space<vmem>>
      %dma_start3A_888 = tpu.memref_squeeze %dma_start3A_887 : memref<1x50x64xf32, #tpu.memory_space<vmem>> -> memref<50x64xf32, #tpu.memory_space<vmem>>
      %dma_start3A_889 = arith.constant 0 : i32
      %dma_start3A_890 = tpu.memref_slice %arg5[%add3A_883, %dma_start3A_889] : memref<512x50xi32, #tpu.memory_space<vmem>> -> memref<1x50xi32, #tpu.memory_space<vmem>>
      %dma_start3A_891 = tpu.memref_squeeze %dma_start3A_890 : memref<1x50xi32, #tpu.memory_space<vmem>> -> memref<50xi32, #tpu.memory_space<vmem>>
      %dma_start3A_892 = arith.constant 0 : i32
      %dma_start3A_893 = arith.constant 0 : i32
      %dma_start3A_894 = tpu.memref_slice %arg3[%dma_start3A_892, %dma_start3A_893] : memref<1000000x64xf32, #tpu.memory_space<hbm>> -> memref<1000000x64xf32, #tpu.memory_space<hbm>>
      tpu.enqueue_indirect_dma source(%dma_start3A_894 : memref<1000000x64xf32, #tpu.memory_space<hbm>>) target(%dma_start3A_888 : memref<50x64xf32, #tpu.memory_space<vmem>>) offsets(%dma_start3A_891 : memref<50xi32, #tpu.memory_space<vmem>>) semaphore(%arg9 : memref<!tpu.dma_semaphore, #tpu.memory_space<semaphore_mem>>)
      %mul3A_895 = arith.constant 8 : i32
      %mul3A_896 = arith.muli %add3A_789, %mul3A_895 : i32
      %add3A_897 = arith.constant 7 : i32
      %add3A_898 = arith.addi %mul3A_896, %add3A_897 : i32
      %dma_start3A_899 = arith.constant 7 : i32
      %dma_start3A_900 = arith.constant 0 : i32
      %dma_start3A_901 = arith.constant 0 : i32
      %dma_start3A_902 = tpu.memref_slice %arg6[%dma_start3A_899, %dma_start3A_900, %dma_start3A_901] : memref<8x50x64xf32, #tpu.memory_space<vmem>> -> memref<1x50x64xf32, #tpu.memory_space<vmem>>
      %dma_start3A_903 = tpu.memref_squeeze %dma_start3A_902 : memref<1x50x64xf32, #tpu.memory_space<vmem>> -> memref<50x64xf32, #tpu.memory_space<vmem>>
      %dma_start3A_904 = arith.constant 0 : i32
      %dma_start3A_905 = tpu.memref_slice %arg5[%add3A_898, %dma_start3A_904] : memref<512x50xi32, #tpu.memory_space<vmem>> -> memref<1x50xi32, #tpu.memory_space<vmem>>
      %dma_start3A_906 = tpu.memref_squeeze %dma_start3A_905 : memref<1x50xi32, #tpu.memory_space<vmem>> -> memref<50xi32, #tpu.memory_space<vmem>>
      %dma_start3A_907 = arith.constant 0 : i32
      %dma_start3A_908 = arith.constant 0 : i32
      %dma_start3A_909 = tpu.memref_slice %arg3[%dma_start3A_907, %dma_start3A_908] : memref<1000000x64xf32, #tpu.memory_space<hbm>> -> memref<1000000x64xf32, #tpu.memory_space<hbm>>
      tpu.enqueue_indirect_dma source(%dma_start3A_909 : memref<1000000x64xf32, #tpu.memory_space<hbm>>) target(%dma_start3A_903 : memref<50x64xf32, #tpu.memory_space<vmem>>) offsets(%dma_start3A_906 : memref<50xi32, #tpu.memory_space<vmem>>) semaphore(%arg9 : memref<!tpu.dma_semaphore, #tpu.memory_space<semaphore_mem>>)
    }
    %scan3A_423 = arith.constant 20 : i32
    %dma_wait3A_424 = arith.constant 0 : i32
    %dma_wait3A_425 = arith.constant 0 : i32
    %dma_wait3A_426 = tpu.memref_slice %arg4[%mul3A_2, %dma_wait3A_424, %dma_wait3A_425] : memref<16384x50x64xf32, #tpu.memory_space<hbm>> -> memref<8x50x64xf32, #tpu.memory_space<hbm>>
    %dma_wait3A_427 = arith.constant 0 : i32
    %dma_wait3A_428 = arith.constant 0 : i32
    %dma_wait3A_429 = tpu.memref_slice %arg4[%mul3A_2, %dma_wait3A_427, %dma_wait3A_428] : memref<16384x50x64xf32, #tpu.memory_space<hbm>> -> memref<8x50x64xf32, #tpu.memory_space<hbm>>
    tpu.wait_dma2 semaphore(%arg11 : memref<!tpu.dma_semaphore, #tpu.memory_space<semaphore_mem>>) src(%dma_wait3A_429 : memref<8x50x64xf32, #tpu.memory_space<hbm>>) dst(%arg8 : memref<8x50x64xf32, #tpu.memory_space<vmem>>)
    %add3A_430 = arith.constant 496 : i32
    %add3A_431 = arith.addi %mul3A_2, %add3A_430 : i32
    %dma_start3A_432 = arith.constant 0 : i32
    %dma_start3A_433 = arith.constant 0 : i32
    %dma_start3A_434 = tpu.memref_slice %arg4[%add3A_431, %dma_start3A_432, %dma_start3A_433] : memref<16384x50x64xf32, #tpu.memory_space<hbm>> -> memref<8x50x64xf32, #tpu.memory_space<hbm>>
    %dma_start3A_435 = arith.constant 0 : i32
    %dma_start3A_436 = arith.constant 0 : i32
    %dma_start3A_437 = tpu.memref_slice %arg4[%add3A_431, %dma_start3A_435, %dma_start3A_436] : memref<16384x50x64xf32, #tpu.memory_space<hbm>> -> memref<8x50x64xf32, #tpu.memory_space<hbm>>
    tpu.enqueue_dma source(%arg8 : memref<8x50x64xf32, #tpu.memory_space<vmem>>) target(%dma_start3A_437 : memref<8x50x64xf32, #tpu.memory_space<hbm>>) target_semaphore(%arg14 : memref<!tpu.dma_semaphore, #tpu.memory_space<semaphore_mem>>)
    %dma_wait3A_438 = arith.constant 0 : i32
    %dma_wait3A_439 = arith.constant 0 : i32
    %dma_wait3A_440 = tpu.memref_slice %arg4[%mul3A_2, %dma_wait3A_438, %dma_wait3A_439] : memref<16384x50x64xf32, #tpu.memory_space<hbm>> -> memref<8x50x64xf32, #tpu.memory_space<hbm>>
    %dma_wait3A_441 = arith.constant 0 : i32
    %dma_wait3A_442 = arith.constant 0 : i32
    %dma_wait3A_443 = tpu.memref_slice %arg4[%mul3A_2, %dma_wait3A_441, %dma_wait3A_442] : memref<16384x50x64xf32, #tpu.memory_space<hbm>> -> memref<8x50x64xf32, #tpu.memory_space<hbm>>
    tpu.wait_dma2 semaphore(%arg13 : memref<!tpu.dma_semaphore, #tpu.memory_space<semaphore_mem>>) src(%arg7 : memref<8x50x64xf32, #tpu.memory_space<vmem>>) dst(%dma_wait3A_443 : memref<8x50x64xf32, #tpu.memory_space<hbm>>)
    %dma_wait3A_444 = arith.constant 0 : i32
    %dma_wait3A_445 = arith.constant 0 : i32
    %dma_wait3A_446 = tpu.memref_slice %arg4[%mul3A_2, %dma_wait3A_444, %dma_wait3A_445] : memref<16384x50x64xf32, #tpu.memory_space<hbm>> -> memref<8x50x64xf32, #tpu.memory_space<hbm>>
    %dma_wait3A_447 = arith.constant 0 : i32
    %dma_wait3A_448 = arith.constant 0 : i32
    %dma_wait3A_449 = tpu.memref_slice %arg4[%mul3A_2, %dma_wait3A_447, %dma_wait3A_448] : memref<16384x50x64xf32, #tpu.memory_space<hbm>> -> memref<8x50x64xf32, #tpu.memory_space<hbm>>
    tpu.wait_dma2 semaphore(%arg9 : memref<!tpu.dma_semaphore, #tpu.memory_space<semaphore_mem>>) src(%dma_wait3A_449 : memref<8x50x64xf32, #tpu.memory_space<hbm>>) dst(%arg6 : memref<8x50x64xf32, #tpu.memory_space<vmem>>)
    %add3A_450 = arith.constant 504 : i32
    %add3A_451 = arith.addi %mul3A_2, %add3A_450 : i32
    %dma_start3A_452 = arith.constant 0 : i32
    %dma_start3A_453 = arith.constant 0 : i32
    %dma_start3A_454 = tpu.memref_slice %arg4[%add3A_451, %dma_start3A_452, %dma_start3A_453] : memref<16384x50x64xf32, #tpu.memory_space<hbm>> -> memref<8x50x64xf32, #tpu.memory_space<hbm>>
    %dma_start3A_455 = arith.constant 0 : i32
    %dma_start3A_456 = arith.constant 0 : i32
    %dma_start3A_457 = tpu.memref_slice %arg4[%add3A_451, %dma_start3A_455, %dma_start3A_456] : memref<16384x50x64xf32, #tpu.memory_space<hbm>> -> memref<8x50x64xf32, #tpu.memory_space<hbm>>
    tpu.enqueue_dma source(%arg6 : memref<8x50x64xf32, #tpu.memory_space<vmem>>) target(%dma_start3A_457 : memref<8x50x64xf32, #tpu.memory_space<hbm>>) target_semaphore(%arg12 : memref<!tpu.dma_semaphore, #tpu.memory_space<semaphore_mem>>)
    %dma_wait3A_458 = arith.constant 0 : i32
    %dma_wait3A_459 = arith.constant 0 : i32
    %dma_wait3A_460 = tpu.memref_slice %arg4[%mul3A_2, %dma_wait3A_458, %dma_wait3A_459] : memref<16384x50x64xf32, #tpu.memory_space<hbm>> -> memref<8x50x64xf32, #tpu.memory_space<hbm>>
    %dma_wait3A_461 = arith.constant 0 : i32
    %dma_wait3A_462 = arith.constant 0 : i32
    %dma_wait3A_463 = tpu.memref_slice %arg4[%mul3A_2, %dma_wait3A_461, %dma_wait3A_462] : memref<16384x50x64xf32, #tpu.memory_space<hbm>> -> memref<8x50x64xf32, #tpu.memory_space<hbm>>
    tpu.wait_dma2 semaphore(%arg14 : memref<!tpu.dma_semaphore, #tpu.memory_space<semaphore_mem>>) src(%arg8 : memref<8x50x64xf32, #tpu.memory_space<vmem>>) dst(%dma_wait3A_463 : memref<8x50x64xf32, #tpu.memory_space<hbm>>)
    %dma_wait3A_464 = arith.constant 0 : i32
    %dma_wait3A_465 = arith.constant 0 : i32
    %dma_wait3A_466 = tpu.memref_slice %arg4[%mul3A_2, %dma_wait3A_464, %dma_wait3A_465] : memref<16384x50x64xf32, #tpu.memory_space<hbm>> -> memref<8x50x64xf32, #tpu.memory_space<hbm>>
    %dma_wait3A_467 = arith.constant 0 : i32
    %dma_wait3A_468 = arith.constant 0 : i32
    %dma_wait3A_469 = tpu.memref_slice %arg4[%mul3A_2, %dma_wait3A_467, %dma_wait3A_468] : memref<16384x50x64xf32, #tpu.memory_space<hbm>> -> memref<8x50x64xf32, #tpu.memory_space<hbm>>
    tpu.wait_dma2 semaphore(%arg12 : memref<!tpu.dma_semaphore, #tpu.memory_space<semaphore_mem>>) src(%arg6 : memref<8x50x64xf32, #tpu.memory_space<vmem>>) dst(%dma_wait3A_469 : memref<8x50x64xf32, #tpu.memory_space<hbm>>)
    return
  }
}

</mosaic_0001>

<sc_bundles>
// kernel: kernel.3.cloned.1.call-start
scs
__scs_entry_jumppad:
0x0: {  	(pc) =	sbr.rel $0x88, $3  }
0x1: {  	(tag) =	ssettag $0x0;
	lr =	simm.s32 $0x1  }
0x2: {  	[smem:$0x3F9F] =	sst lr;
	_ =	strace $0xD0000000  }
0x3: {  	_ = 	snop  }
0x4: {  	_ = 	snop  }
0x5: {  	_ = 	snop  }
0x6: {  	_ = 	snop  }
0x7: {  	_ = 	snop  }
__scs_overlays_trampoline_lowered:
0x8: {  	[smem:$0x3FAE] =	sst s0  }
0x9: {  	[smem:$0x3FAF] =	sst s1  }
0xa: {  	[smem:$0x3FB0] =	sst s2  }
0xb: {  	[smem:$0x3FB1] =	sst s3  }
0xc: {  	[smem:$0x3FB2] =	sst s4  }
0xd: {  	[smem:$0x3FB3] =	sst s5  }
0xe: {  	[smem:$0x3FB4] =	sst s6  }
0xf: {  	[smem:$0x3FB5] =	sst s7  }
0x10: {  	[smem:$0x3FB6] =	sst s8  }
0x11: {  	[smem:$0x3FB7] =	sst s9;
	s0 =	simm.s32 @!p0 $0x0  }
0x12: {  	s1 =	sld [smem:$0x3F9D];
	s0 =	simm.s32 @p0 $0x1  }
0x13: {  	[smem:$0x3FB8] =	sst s0;
	s0 =	simm.s32 @!p1 $0x0  }
0x14: {  	s2 =	sld [smem:$0x3F9C];
	s0 =	simm.s32 @p1 $0x1  }
0x15: {  	[smem:$0x3FB9] =	sst s0;
	s0 =	simm.s32 @!p2 $0x0  }
0x16: {  	s3 =	sld [smem:$0x3FDB];
	s0 =	simm.s32 @p2 $0x1  }
0x17: {  	s4 =	simm.s32 $0x1BF5;
	[smem:$0x3FBB] =	sst s0  }
0x18: {  	s0 =	sld [smem:$0x3F9E];
	_ =	swait.ge [sflag:s4], $0x0  }
0x19: {  	s7 =	sld [smem:$0x3F9F]  }
0x1a: {  	s8 =	sadd.s32 $0xFFFFE003, lr  }
0x1b: {  	s9 =	sadd.s32 $0xFFFFFEF7, lr;
	s5 =	simm.s32 $0xFFFFFFFF;
	p2 =	slt.u32 s8, $0xFFFFF086  }
0x1c: {  	p1 =	slt.u32 s9, $0xF7A;
	s5 =	simm.s32 @!p2 $0x0  }
0x1d: {  	s5 =	simm.s32 @p1 $0x1;
	p0 =	seq.s32 s7, s2  }
0x1e: {  	s7 =	smul.u32 @!p0 $0xF7A, s2;
	p2 =	seq.s32 @!p0 s5, $0x0  }
0x1f: {  	s9 =	smul.u32 $0xF7A, s1;
	s8 =	simm.s32 @!p0 $0x1BF5;
	p2 =	por !p2, p0  }
0x20: {  	[sflag:s8] =	ssyncset.s32 @!p0 $0xFFFFF086;
	s6 =	sadd.s32 @!p0 s3, s7;
	s7 =	simm.s32 @!p0 $0x108  }
0x21: {  	s3 =	sadd.s32 s3, s9;
	s6 =	sadd.s32 @!p0 $0x88, s6;
	s7 =	simm.s32 @p2 $0x1082  }
0x22: {  	[simem:s7], [sflag:s8] =	dma.local @!p0 [hbm:s6], $0xF7A  }
0x23: {  	s9 =	sor.u32 $0xD0000000, s2;
	s6 =	simm.s32 $0x108;
	_ =	swait.ge @!p0 [sflag:s8], $0x0  }
0x24: {  	s3 =	sadd.s32 $0x88, s3;
	s6 =	simm.s32 @!p1 $0x1082;
	[sflag:s4] =	ssyncset.s32 $0xFFFFF086  }
0x25: {  	[simem:s6], [sflag:s4] =	dma.local [hbm:s3], $0xF7A  }
0x26: {  	[smem:$0x3F9F] =	sst s1;
	(tag) =	ssettag s2;
	_ =	strace s9  }
0x27: {  	s1 =	sld [smem:$0x3FAF]  }
0x28: {  	s2 =	sld [smem:$0x3FB0]  }
0x29: {  	s4 =	sld [smem:$0x3FB2]  }
0x2a: {  	p0 =	seq.s32 s5, $0x0;
	s5 =	sld [smem:$0x3FB3]  }
0x2b: {  	s6 =	sld [smem:$0x3FB4]  }
0x2c: {  	s7 =	sld [smem:$0x3FB5]  }
0x2d: {  	s3 =	simm.s32 $0x108;
	s8 =	sld [smem:$0x3FB6]  }
0x2e: {  	s3 =	simm.s32 @!p0 $0x1082;
	s9 =	sld [smem:$0x3FB7]  }
0x2f: {  	lr =	sadd.s32 s0, s3;
	s0 =	sld [smem:$0x3FAE]  }
0x30: {  	s3 =	sld [smem:$0x3FB1]  }
0x31: {  	[smem:$0x3FBA] =	sst s10  }
0x32: {  	s10 =	sld [smem:$0x3FB8];
	_ =	sdelay $0x3  }
0x33: {  	p0 =	seq.s32 s10, $0x1;
	s10 =	sld [smem:$0x3FBA];
	_ =	sdelay $0x3  }
0x34: {  	[smem:$0x3FBA] =	sst s10  }
0x35: {  	s10 =	sld [smem:$0x3FB9];
	_ =	sdelay $0x3  }
0x36: {  	p1 =	seq.s32 s10, $0x1;
	s10 =	sld [smem:$0x3FBA];
	_ =	sdelay $0x3  }
0x37: {  	[smem:$0x3FBA] =	sst s10  }
0x38: {  	s10 =	sld [smem:$0x3FBB]  }
0x39: {  	_ = 	snop;
	(pc) =	sbr.ind lr, $3  }
0x3a: {  	_ = 	snop  }
0x3b: {  	_ = 	snop  }
0x3c: {  	p2 =	seq.s32 s10, $0x1;
	s10 =	sld [smem:$0x3FBA]  }
0x3d: {  	_ =	shalt  }
0x3e: {  	_ =	shalt  }
0x3f: {  	_ =	shalt  }
0x40: {  	_ =	shalt  }
0x41: {  	_ =	shalt  }
0x42: {  	_ =	shalt  }
0x43: {  	_ =	shalt  }
0x44: {  	_ =	shalt  }
0x45: {  	_ =	shalt  }
0x46: {  	_ =	shalt  }
0x47: {  	_ =	shalt  }
0x48: {  	_ =	shalt  }
0x49: {  	_ =	shalt  }
0x4a: {  	_ =	shalt  }
0x4b: {  	_ =	shalt  }
0x4c: {  	_ =	shalt  }
0x4d: {  	_ =	shalt  }
0x4e: {  	_ =	shalt  }
0x4f: {  	_ =	shalt  }
0x50: {  	_ =	shalt  }
0x51: {  	_ =	shalt  }
0x52: {  	_ =	shalt  }
0x53: {  	_ =	shalt  }
0x54: {  	_ =	shalt  }
0x55: {  	_ =	shalt  }
0x56: {  	_ =	shalt  }
0x57: {  	_ =	shalt  }
0x58: {  	_ =	shalt  }
0x59: {  	_ =	shalt  }
0x5a: {  	_ =	shalt  }
0x5b: {  	_ =	shalt  }
0x5c: {  	_ =	shalt  }
0x5d: {  	_ =	shalt  }
0x5e: {  	_ =	shalt  }
0x5f: {  	_ =	shalt  }
0x60: {  	_ =	shalt  }
0x61: {  	_ =	shalt  }
0x62: {  	_ =	shalt  }
0x63: {  	_ =	shalt  }
0x64: {  	_ =	shalt  }
0x65: {  	_ =	shalt  }
0x66: {  	_ =	shalt  }
0x67: {  	_ =	shalt  }
0x68: {  	_ =	shalt  }
0x69: {  	_ =	shalt  }
0x6a: {  	_ =	shalt  }
0x6b: {  	_ =	shalt  }
0x6c: {  	_ =	shalt  }
0x6d: {  	_ =	shalt  }
0x6e: {  	_ =	shalt  }
0x6f: {  	_ =	shalt  }
0x70: {  	_ =	shalt  }
0x71: {  	_ =	shalt  }
0x72: {  	_ =	shalt  }
0x73: {  	_ =	shalt  }
0x74: {  	_ =	shalt  }
0x75: {  	_ =	shalt  }
0x76: {  	_ =	shalt  }
0x77: {  	_ =	shalt  }
0x78: {  	_ =	shalt  }
0x79: {  	_ =	shalt  }
0x7a: {  	_ =	shalt  }
0x7b: {  	_ =	shalt  }
0x7c: {  	_ =	shalt  }
0x7d: {  	_ =	shalt  }
0x7e: {  	_ =	shalt  }
0x7f: {  	_ =	shalt  }
0x80: {  	_ =	shalt  }
0x81: {  	_ =	shalt  }
0x82: {  	_ =	shalt  }
0x83: {  	_ =	shalt  }
0x84: {  	_ =	shalt  }
0x85: {  	_ =	shalt  }
0x86: {  	_ =	shalt  }
0x87: {  	_ =	shalt  }
.Lfunc_end0:
.L_simem_size_0:
called_computation.1_lowered:
.L_overlay_start_0:
0x88: {  	s2 =	sld [smem:$0x3FD9]  }
0x89: {  	s3 =	sld [smem:$0x3FFE];
	_ =	sdelay $0x1  }
0x8a: {  	s1 =	srdreg.scid  }
0x8b: {  	s0 =	sand.u32 $0x1, s1  }
0x8c: {  	s17 =	sshll.u32 s0, $0xA;
	s2 =	sadd.s32 s3, s2  }
0x8d: {  	s2 =	sadd.s32 s2, s17  }
0x8e: {  	[smem:$0x3FC6] =	sst s2  }
0x8f: {  	_ = 	snop  }
0x90: {  	s2 =	sld [smem:$0x3FD0];
	(tm) =	ssettm $0x1  }
0x91: {  	s18 =	sld [smem:$0x3FFB];
	_ =	sdelay $0x3  }
0x92: {  	_ =	strace s18  }
0x93: {  	s3 =	sld [smem:$0x3FFC];
	_ =	sdelay $0x3  }
0x94: {  	_ =	strace s3  }
0x95: {  	s3 =	sld [smem:$0x3FFD];
	_ =	sdelay $0x3  }
0x96: {  	_ =	strace s3  }
0x97: {  	_ =	strace $0x8FFFFFFF  }
0x98: {  	s19 =	sld [smem:$0x3FDB];
	_ =	sdelay $0x1  }
0x99: {  	s4 =	simm.s32 $_scs_section_size  }
0x9a: {  	s5 =	simm.s32 $_size__tile_overlayer_lowered;
	s6 =	simm.s32 $_tile_overlayer_lowered  }
0x9b: {  	s22 =	simm.s32 $0x1BFF;
	s21 =	sshll.u32 s6, $0x1;
	s3 =	sadd.s32 s4, s19  }
0x9c: {  	s7 =	simm.s32 $0x0;
	s20 =	sshll.u32 s5, $0x1;
	s5 =	sadd.s32 s21, s3  }
0x9d: {  	[timem:s7], [sflag:s22] =	dma.local [hbm:s5], s20  }
0x9e: {  	_ =	swait.ge [sflag:s22], s20  }
0x9f: {  	s4 =	ssub.s32 $0x0, s20;
	[sflag:s22] =	ssyncset.done $0x0  }
0xa0: {  	[sflag:s22] =	ssyncadd.s32 s4;
	_ =	sdelay $0x1  }
0xa1: {  	s23 =	simm.s32 $0x1B8B  }
0xa2: {  	_ =	swait.ge [sflag:s23], $0x1  }
0xa3: {  	[sflag:s23] =	ssyncset.done $0x0  }
0xa4: {  	s25 =	simm.s32 $0x1B8E;
	s24 =	sld [smem:$0x3FFE];
	[sflag:s23] =	ssyncadd.s32 $0xFFFFFFFF  }
0xa5: {  	s26 =	simm.s32 $execute0_lowered;
	[smem:$0x3FD2] =	sst s25  }
0xa6: {  	s5 =	sshll.u32 s26, $0x1;
	_ =	strace $0x80000046;
	[dreg:$0x1] =	wrdreg $0xFFFFFFFF  }
0xa7: {  	s28 =	simm.s32 $_size_execute0_lowered;
	s3 =	sadd.s32 s3, s5;
	[dreg:$0x0] =	wrdreg $0x0  }
0xa8: {  	s5 =	sshll.u32 s28, $0x1;
	[dreg:$0x2] =	wrdreg s3  }
0xa9: {  	[dreg:$0x3] =	wrdreg s5  }
0xaa: {  	[dreg:$0x4] =	wrdreg $0xC0  }
0xab: {  	_ =	task [dreg:s7], $0x5FFFF  }
0xac: {  	[dreg:$0x1] =	wrdreg $0xFFFFFFFF  }
0xad: {  	[dreg:$0x0] =	wrdreg $0x60  }
0xae: {  	[dreg:$0x2] =	wrdreg s24  }
0xaf: {  	[dreg:$0x3] =	wrdreg s2  }
0xb0: {  	[dreg:$0x4] =	wrdreg $0x9  }
0xb1: {  	_ =	task.clear_ibuf [dreg:s7], $0x5FFFF;
	_ =	strace $0x90000046  }
0xb2: {  	s29 =	simm.s32 $0x9;
	_ =	strace $0x80000048  }
0xb3: {  	_ =	swait.ge [sflag:s29], $0x1  }
0xb4: {  	[sflag:s29] =	ssyncadd.s32 $0xFFFFFFFF  }
0xb5: {  	_ =	strace $0x90000048  }
0xb6: {  	_ =	sfence  }
0xb7: {  	s30 =	sld [smem:$0x0];
	_ =	sdelay $0x2  }
0xb8: {  	s31 =	sshll.u32 s1, $0xD;
	s1 =	sshrl.u32 s1, $0x2  }
0xb9: {  	s3 =	sand.u32 $0x4000, s31;
	s1 =	sadd.s32 s1, s30  }
0xba: {  	s0 =	sor.u32 s3, s0;
	s1 =	sshll.u32 s1, $0x11  }
0xbb: {  	s0 =	sor.u32 s1, s0  }
0xbc: {  	s0 =	sadd.s32 $0x8F2B, s0  }
0xbd: {  	[sflag:s0] =	ssyncadd.remote.s32 $0x1  }
0xbe: {  	_ =	sfence.sel $0xFFFF  }
0xbf: {  	[dreg:$0x0] =	wrdreg $0xFFFFFFFF;
	(pc) =	sbr.abs _section_cstart, $3  }
0xc0: {  	[dreg:$0x1] =	wrdreg $0xFFFFFFFF  }
0xc1: {  	_ =	task.clear_ibuf [dreg:s7], $0x2FFFF;
	_ =	strace $0x9FFFFFFF  }
0xc2: {  	(tm) =	ssettm $0x7FFFFFFF  }
0xc3: {  	_ =	shalt  }
tec
execute0_lowered:
.L_overlay_start_1:
0x0: {  	(tag) =	ssettag $0x1  }
0x1: {  	s0 =	srdreg.scid;
	s1 =	rddreg [dreg:$0x0]  }
0x2: {  	s9 =	stileid.u32;
	s4 =	rddreg [dreg:$0x1];
	s2 =	simm.s32 $0x0  }
0x3: {  	s12 =	simm.s32 $0x32;
	s23 =	simm.s32 $0x7C80;
	s28 =	simm.s32 $0x9580  }
0x4: {  	s14 =	simm.s32 $0xA200;
	s18 =	simm.s32 $0xAE80;
	s22 =	simm.s32 $0xBB00  }
0x5: {  	s30 =	simm.s32 $0xD400;
	s16 =	simm.s32 $0xE080;
	s20 =	simm.s32 $0x1  }
0x6: {  	s29 =	simm.s32 $0x13800;
	s13 =	simm.s32 $0x15D80;
	s11 =	simm.s32 $0x4  }
0x7: {  	s10 =	simm.s32 $0x3;
	s15 =	simm.s32 $0x5;
	s0 =	sand.u32 $0x1, s0  }
0x8: {  	s3 =	sshll.u32 s9, $0xA;
	s25 =	smul.u32 $0x64000, s9;
	s5 =	sshll.u32 s0, $0x9  }
0x9: {  	s7 =	ssub.s32 $0x2, s0;
	s0 =	smul.u32 $0x32000, s0;
	s5 =	sor.u32 s5, s3  }
0xa: {  	s17 =	simm.s32 $0x6;
	[smem:$0x7FF] =	sst s2;
	s3 =	smul.u32 $0x7, s5  }
0xb: {  	s9 =	simm.s32 $0x14480;
	_ =	strace $0x80000047;
	s8 =	smul.u32 $0x190, s5  }
0xc: {  	s24 =	sshrl.u32 s7, $0x1;
	s5 =	smul.u32 $0xC80, s5;
	s6 =	sadd.s32 s3, s1  }
0xd: {  	s3 =	sadd.s32 $0xF42E00, s1;
	s1 =	ssub.s32 s7, s24;
	s26 =	sadd.s32 s4, s8  }
0xe: {  	s5 =	sshrl.u32 s5, $0x3;
	s24 =	simm.s32 $0xED00;
	s8 =	simm.s32 $0x12B80  }
0xf: {  	s6 =	sadd.s32 $0xA00, s6;
	[dreg:$0x4] =	wrdreg s26;
	s7 =	sadd.s32 $0xC80, s26  }
0x10: {  	s5 =	sadd.s32 s4, s5;
	s4 =	sadd.s32 s25, s4;
	s1 =	smax.u32 s1, $0x1  }
0x11: {  	s25 =	simm.s32 $0x8900;
	s26 =	simm.s32 $0x15100;
	[dreg:$0x3] =	wrdreg s6  }
0x12: {  	[dreg:$0x5] =	wrdreg s7;
	s31 =	sadd.s32 $0x30700, s5;
	s5 =	sadd.s32 $0x31380, s5  }
0x13: {  	s0 =	sadd.s32 s0, s4;
	[dreg:$0x8] =	wrdreg s1;
	s4 =	simm.s32 $0x10600  }
0x14: {  	s6 =	simm.s32 $0x11280;
	s7 =	simm.s32 $0x11F00;
	[dreg:$0x6] =	wrdreg s31  }
0x15: {  	s1 =	simm.s32 $0x0;
	[dreg:$0x7] =	wrdreg s5;
	s0 =	sadd.s32 $0x1900, s0  }
0x16: {  	s5 =	simm.s32 $0x2;
	[dreg:$0x9] =	wrdreg s0;
	s0 =	simm.s32 $0xF980  }
.LBB2_1:
0x17: {  	[dreg:$0xa] =	wrdreg s1  }
0x18: {  	s19 =	rddreg [dreg:$0x3];
	s1 =	simm.s32 $0x7  }
0x19: {  	[tilespmem:s2], [sflag:$0x7] =	stream.linear.gather [hbm4b:s19+s2], $0x7000, $0x38;
	[tilespmem:$0x19C00] =	vst v63  }
0x1a: {  	_ =	swait.ge [sflag:s1], $0x7000  }
0x1b: {  	[sflag:s1] =	ssyncset.done $0x0  }
0x1c: {  	s31 =	simm.s32 $0x7000;
	[sflag:s1] =	ssyncadd.s32 $0xFFFF9000  }
0x1d: {  	[tilespmem:s31], [sflag:$0x1] =	stream.indirect.gather [hbm4b:s3+s12], $0x40, s2, s12, $0xb8;
	[tilespmem:$0x19C00] =	vst v63  }
0x1e: {  	s21 =	simm.s32 $0x38  }
0x1f: {  	[tilespmem:s23], [sflag:$0x1] =	stream.indirect.gather [hbm4b:s3+s12], $0x40, s21, s12, $0xb8;
	[tilespmem:$0x19C00] =	vst v63  }
0x20: {  	s1 =	simm.s32 $0x70  }
0x21: {  	[tilespmem:s25], [sflag:$0x1] =	stream.indirect.gather [hbm4b:s3+s12], $0x40, s1, s12, $0xb8;
	[tilespmem:$0x19C00] =	vst v63  }
0x22: {  	s19 =	simm.s32 $0xA8  }
0x23: {  	[tilespmem:s28], [sflag:$0x1] =	stream.indirect.gather [hbm4b:s3+s12], $0x40, s19, s12, $0xb8;
	[tilespmem:$0x19C00] =	vst v63  }
0x24: {  	s21 =	simm.s32 $0xE0  }
0x25: {  	[tilespmem:s14], [sflag:$0x1] =	stream.indirect.gather [hbm4b:s3+s12], $0x40, s21, s12, $0xb8;
	[tilespmem:$0x19C00] =	vst v63  }
0x26: {  	s19 =	simm.s32 $0x118  }
0x27: {  	[tilespmem:s18], [sflag:$0x1] =	stream.indirect.gather [hbm4b:s3+s12], $0x40, s19, s12, $0xb8;
	[tilespmem:$0x19C00] =	vst v63  }
0x28: {  	s21 =	simm.s32 $0x150  }
0x29: {  	[tilespmem:s22], [sflag:$0x1] =	stream.indirect.gather [hbm4b:s3+s12], $0x40, s21, s12, $0xb8;
	[tilespmem:$0x19C00] =	vst v63  }
0x2a: {  	s19 =	simm.s32 $0x188;
	s21 =	simm.s32 $0xC780  }
0x2b: {  	[tilespmem:s21], [sflag:$0x1] =	stream.indirect.gather [hbm4b:s3+s12], $0x40, s19, s12, $0xb8;
	[tilespmem:$0x19C00] =	vst v63  }
0x2c: {  	s19 =	simm.s32 $0x1C0  }
0x2d: {  	[tilespmem:s30], [sflag:$0x2] =	stream.indirect.gather [hbm4b:s3+s12], $0x40, s19, s12, $0xb8;
	[tilespmem:$0x19C00] =	vst v63  }
0x2e: {  	s19 =	simm.s32 $0x1F8  }
0x2f: {  	[tilespmem:s16], [sflag:$0x2] =	stream.indirect.gather [hbm4b:s3+s12], $0x40, s19, s12, $0xb8;
	[tilespmem:$0x19C00] =	vst v63  }
0x30: {  	s19 =	simm.s32 $0x230  }
0x31: {  	[tilespmem:s24], [sflag:$0x2] =	stream.indirect.gather [hbm4b:s3+s12], $0x40, s19, s12, $0xb8;
	[tilespmem:$0x19C00] =	vst v63  }
0x32: {  	s19 =	simm.s32 $0x268  }
0x33: {  	[tilespmem:s0], [sflag:$0x2] =	stream.indirect.gather [hbm4b:s3+s12], $0x40, s19, s12, $0xb8;
	[tilespmem:$0x19C00] =	vst v63  }
0x34: {  	s19 =	simm.s32 $0x2A0  }
0x35: {  	[tilespmem:s4], [sflag:$0x2] =	stream.indirect.gather [hbm4b:s3+s12], $0x40, s19, s12, $0xb8;
	[tilespmem:$0x19C00] =	vst v63  }
0x36: {  	s19 =	simm.s32 $0x2D8  }
0x37: {  	[tilespmem:s6], [sflag:$0x2] =	stream.indirect.gather [hbm4b:s3+s12], $0x40, s19, s12, $0xb8;
	[tilespmem:$0x19C00] =	vst v63  }
0x38: {  	s19 =	simm.s32 $0x310  }
0x39: {  	[tilespmem:s7], [sflag:$0x2] =	stream.indirect.gather [hbm4b:s3+s12], $0x40, s19, s12, $0xb8;
	[tilespmem:$0x19C00] =	vst v63  }
0x3a: {  	s19 =	simm.s32 $0x348  }
0x3b: {  	[tilespmem:s8], [sflag:$0x2] =	stream.indirect.gather [hbm4b:s3+s12], $0x40, s19, s12, $0xb8;
	[tilespmem:$0x19C00] =	vst v63  }
0x3c: {  	_ =	swait.ge [sflag:s20], $0x6400  }
0x3d: {  	[sflag:s20] =	ssyncset.done $0x0  }
0x3e: {  	s1 =	rddreg [dreg:$0x4];
	[sflag:s20] =	ssyncadd.s32 $0xFFFF9C00  }
0x3f: {  	[hbm4b:s1+s2] =	stream.linear.scatter [tilespmem:s31], [sflag:$0x4], $0x6400, $0x38;
	[tilespmem:$0x19C00] =	vst v63  }
0x40: {  	s19 =	simm.s32 $0x380  }
0x41: {  	[tilespmem:s29], [sflag:$0x3] =	stream.indirect.gather [hbm4b:s3+s12], $0x40, s19, s12, $0xb8;
	[tilespmem:$0x19C00] =	vst v63  }
0x42: {  	s19 =	simm.s32 $0x3B8  }
0x43: {  	[tilespmem:s9], [sflag:$0x3] =	stream.indirect.gather [hbm4b:s3+s12], $0x40, s19, s12, $0xb8;
	[tilespmem:$0x19C00] =	vst v63  }
0x44: {  	s19 =	simm.s32 $0x3F0  }
0x45: {  	[tilespmem:s26], [sflag:$0x3] =	stream.indirect.gather [hbm4b:s3+s12], $0x40, s19, s12, $0xb8;
	[tilespmem:$0x19C00] =	vst v63  }
0x46: {  	s19 =	simm.s32 $0x428  }
0x47: {  	[tilespmem:s13], [sflag:$0x3] =	stream.indirect.gather [hbm4b:s3+s12], $0x40, s19, s12, $0xb8;
	[tilespmem:$0x19C00] =	vst v63  }
0x48: {  	s1 =	simm.s32 $0x460;
	s19 =	simm.s32 $0x16A00  }
0x49: {  	[tilespmem:s19], [sflag:$0x3] =	stream.indirect.gather [hbm4b:s3+s12], $0x40, s1, s12, $0xb8;
	[tilespmem:$0x19C00] =	vst v63  }
0x4a: {  	s19 =	simm.s32 $0x17680;
	s1 =	simm.s32 $0x498  }
0x4b: {  	[tilespmem:s19], [sflag:$0x3] =	stream.indirect.gather [hbm4b:s3+s12], $0x40, s1, s12, $0xb8;
	[tilespmem:$0x19C00] =	vst v63  }
0x4c: {  	s19 =	simm.s32 $0x18300;
	s1 =	simm.s32 $0x4D0  }
0x4d: {  	[tilespmem:s19], [sflag:$0x3] =	stream.indirect.gather [hbm4b:s3+s12], $0x40, s1, s12, $0xb8;
	[tilespmem:$0x19C00] =	vst v63  }
0x4e: {  	s19 =	simm.s32 $0x18F80;
	s1 =	simm.s32 $0x508  }
0x4f: {  	[tilespmem:s19], [sflag:$0x3] =	stream.indirect.gather [hbm4b:s3+s12], $0x40, s1, s12, $0xb8;
	[tilespmem:$0x19C00] =	vst v63  }
0x50: {  	_ =	swait.ge [sflag:s5], $0x6400  }
0x51: {  	[sflag:s5] =	ssyncset.done $0x0  }
0x52: {  	s1 =	rddreg [dreg:$0x5];
	[sflag:s5] =	ssyncadd.s32 $0xFFFF9C00  }
0x53: {  	[hbm4b:s1+s2] =	stream.linear.scatter [tilespmem:s30], [sflag:$0x5], $0x6400, $0x38;
	[tilespmem:$0x19C00] =	vst v63  }
0x54: {  	_ =	swait.ge [sflag:s11], $0x6400  }
0x55: {  	[sflag:s11] =	ssyncset.done $0x0  }
0x56: {  	s19 =	simm.s32 $0x540;
	[sflag:s11] =	ssyncadd.s32 $0xFFFF9C00  }
0x57: {  	[tilespmem:s31], [sflag:$0x1] =	stream.indirect.gather [hbm4b:s3+s12], $0x40, s19, s12, $0xb8;
	[tilespmem:$0x19C00] =	vst v63  }
0x58: {  	s19 =	simm.s32 $0x578  }
0x59: {  	[tilespmem:s23], [sflag:$0x1] =	stream.indirect.gather [hbm4b:s3+s12], $0x40, s19, s12, $0xb8;
	[tilespmem:$0x19C00] =	vst v63  }
0x5a: {  	s19 =	simm.s32 $0x5B0  }
0x5b: {  	[tilespmem:s25], [sflag:$0x1] =	stream.indirect.gather [hbm4b:s3+s12], $0x40, s19, s12, $0xb8;
	[tilespmem:$0x19C00] =	vst v63  }
0x5c: {  	s19 =	simm.s32 $0x5E8  }
0x5d: {  	[tilespmem:s28], [sflag:$0x1] =	stream.indirect.gather [hbm4b:s3+s12], $0x40, s19, s12, $0xb8;
	[tilespmem:$0x19C00] =	vst v63  }
0x5e: {  	s19 =	simm.s32 $0x620  }
0x5f: {  	[tilespmem:s14], [sflag:$0x1] =	stream.indirect.gather [hbm4b:s3+s12], $0x40, s19, s12, $0xb8;
	[tilespmem:$0x19C00] =	vst v63  }
0x60: {  	s19 =	simm.s32 $0x658  }
0x61: {  	[tilespmem:s18], [sflag:$0x1] =	stream.indirect.gather [hbm4b:s3+s12], $0x40, s19, s12, $0xb8;
	[tilespmem:$0x19C00] =	vst v63  }
0x62: {  	s19 =	simm.s32 $0x690  }
0x63: {  	[tilespmem:s22], [sflag:$0x1] =	stream.indirect.gather [hbm4b:s3+s12], $0x40, s19, s12, $0xb8;
	[tilespmem:$0x19C00] =	vst v63  }
0x64: {  	s19 =	simm.s32 $0x6C8  }
0x65: {  	[tilespmem:s21], [sflag:$0x1] =	stream.indirect.gather [hbm4b:s3+s12], $0x40, s19, s12, $0xb8;
	[tilespmem:$0x19C00] =	vst v63  }
0x66: {  	_ =	swait.ge [sflag:s10], $0x6400  }
0x67: {  	[sflag:s10] =	ssyncset.done $0x0  }
0x68: {  	s21 =	rddreg [dreg:$0x9];
	[sflag:s10] =	ssyncadd.s32 $0xFFFF9C00  }
0x69: {  	[hbm4b:s21+s2] =	stream.linear.scatter [tilespmem:s29], [sflag:$0x6], $0x6400, $0x38;
	[tilespmem:$0x19C00] =	vst v63  }
0x6a: {  	_ =	swait.ge [sflag:s15], $0x6400  }
0x6b: {  	[sflag:s15] =	ssyncset.done $0x0  }
0x6c: {  	s1 =	simm.s32 $0x700;
	[sflag:s15] =	ssyncadd.s32 $0xFFFF9C00  }
0x6d: {  	[tilespmem:s30], [sflag:$0x2] =	stream.indirect.gather [hbm4b:s3+s12], $0x40, s1, s12, $0xb8;
	[tilespmem:$0x19C00] =	vst v63  }
0x6e: {  	s1 =	simm.s32 $0x738  }
0x6f: {  	[tilespmem:s16], [sflag:$0x2] =	stream.indirect.gather [hbm4b:s3+s12], $0x40, s1, s12, $0xb8;
	[tilespmem:$0x19C00] =	vst v63  }
0x70: {  	s1 =	simm.s32 $0x770  }
0x71: {  	[tilespmem:s24], [sflag:$0x2] =	stream.indirect.gather [hbm4b:s3+s12], $0x40, s1, s12, $0xb8;
	[tilespmem:$0x19C00] =	vst v63  }
0x72: {  	s16 =	simm.s32 $0x7A8  }
0x73: {  	[tilespmem:s0], [sflag:$0x2] =	stream.indirect.gather [hbm4b:s3+s12], $0x40, s16, s12, $0xb8;
	[tilespmem:$0x19C00] =	vst v63  }
0x74: {  	s24 =	simm.s32 $0x7E0  }
0x75: {  	[tilespmem:s4], [sflag:$0x2] =	stream.indirect.gather [hbm4b:s3+s12], $0x40, s24, s12, $0xb8;
	[tilespmem:$0x19C00] =	vst v63  }
0x76: {  	s0 =	simm.s32 $0x818  }
0x77: {  	[tilespmem:s6], [sflag:$0x2] =	stream.indirect.gather [hbm4b:s3+s12], $0x40, s0, s12, $0xb8;
	[tilespmem:$0x19C00] =	vst v63  }
0x78: {  	s1 =	simm.s32 $0x850  }
0x79: {  	[tilespmem:s7], [sflag:$0x2] =	stream.indirect.gather [hbm4b:s3+s12], $0x40, s1, s12, $0xb8;
	[tilespmem:$0x19C00] =	vst v63  }
0x7a: {  	s4 =	simm.s32 $0x888  }
0x7b: {  	[tilespmem:s8], [sflag:$0x2] =	stream.indirect.gather [hbm4b:s3+s12], $0x40, s4, s12, $0xb8;
	[tilespmem:$0x19C00] =	vst v63  }
0x7c: {  	_ =	swait.ge [sflag:s20], $0x6400  }
0x7d: {  	[sflag:s20] =	ssyncset.done $0x0  }
0x7e: {  	s6 =	sadd.s32 $0xC80, s21;
	[sflag:s20] =	ssyncadd.s32 $0xFFFF9C00  }
0x7f: {  	[hbm4b:s6+s2] =	stream.linear.scatter [tilespmem:s31], [sflag:$0x4], $0x6400, $0x38;
	[tilespmem:$0x19C00] =	vst v63  }
0x80: {  	_ =	swait.ge [sflag:s17], $0x6400  }
0x81: {  	[sflag:s17] =	ssyncset.done $0x0  }
0x82: {  	s7 =	simm.s32 $0x8C0;
	[sflag:s17] =	ssyncadd.s32 $0xFFFF9C00  }
0x83: {  	[tilespmem:s29], [sflag:$0x3] =	stream.indirect.gather [hbm4b:s3+s12], $0x40, s7, s12, $0xb8;
	[tilespmem:$0x19C00] =	vst v63  }
0x84: {  	s8 =	simm.s32 $0x8F8  }
0x85: {  	[tilespmem:s9], [sflag:$0x3] =	stream.indirect.gather [hbm4b:s3+s12], $0x40, s8, s12, $0xb8;
	[tilespmem:$0x19C00] =	vst v63  }
0x86: {  	s9 =	simm.s32 $0x930  }
0x87: {  	[tilespmem:s26], [sflag:$0x3] =	stream.indirect.gather [hbm4b:s3+s12], $0x40, s9, s12, $0xb8;
	[tilespmem:$0x19C00] =	vst v63  }
0x88: {  	s16 =	simm.s32 $0x968  }
0x89: {  	[tilespmem:s13], [sflag:$0x3] =	stream.indirect.gather [hbm4b:s3+s12], $0x40, s16, s12, $0xb8;
	[tilespmem:$0x19C00] =	vst v63  }
0x8a: {  	s24 =	simm.s32 $0x9A0;
	s26 =	simm.s32 $0x16A00  }
0x8b: {  	[tilespmem:s26], [sflag:$0x3] =	stream.indirect.gather [hbm4b:s3+s12], $0x40, s24, s12, $0xb8;
	[tilespmem:$0x19C00] =	vst v63  }
0x8c: {  	s0 =	simm.s32 $0x9D8;
	s1 =	simm.s32 $0x17680  }
0x8d: {  	[tilespmem:s1], [sflag:$0x3] =	stream.indirect.gather [hbm4b:s3+s12], $0x40, s0, s12, $0xb8;
	[tilespmem:$0x19C00] =	vst v63  }
0x8e: {  	s4 =	simm.s32 $0xA10;
	s6 =	simm.s32 $0x18300  }
0x8f: {  	[tilespmem:s6], [sflag:$0x3] =	stream.indirect.gather [hbm4b:s3+s12], $0x40, s4, s12, $0xb8;
	[tilespmem:$0x19C00] =	vst v63  }
0x90: {  	s7 =	simm.s32 $0xA48;
	s8 =	simm.s32 $0x18F80  }
0x91: {  	[tilespmem:s8], [sflag:$0x3] =	stream.indirect.gather [hbm4b:s3+s12], $0x40, s7, s12, $0xb8;
	[tilespmem:$0x19C00] =	vst v63  }
0x92: {  	_ =	swait.ge [sflag:s5], $0x6400  }
0x93: {  	[sflag:s5] =	ssyncset.done $0x0  }
0x94: {  	s9 =	sadd.s32 $0x1900, s21;
	[sflag:s5] =	ssyncadd.s32 $0xFFFF9C00  }
0x95: {  	[hbm4b:s9+s2] =	stream.linear.scatter [tilespmem:s30], [sflag:$0x5], $0x6400, $0x38;
	[tilespmem:$0x19C00] =	vst v63  }
0x96: {  	_ =	swait.ge [sflag:s11], $0x6400  }
0x97: {  	s19 =	simm.s32 $0x1500;
	s21 =	sadd.s32 $0x2580, s21;
	[sflag:s11] =	ssyncset.done $0x0  }
0x98: {  	s13 =	simm.s32 $0xA80;
	s16 =	simm.s32 $0xAB8;
	[sflag:s11] =	ssyncadd.s32 $0xFFFF9C00  }
0x99: {  	[tilespmem:s31], [sflag:$0x1] =	stream.indirect.gather [hbm4b:s3+s12], $0x40, s13, s12, $0xb8;
	[tilespmem:$0x19C00] =	vst v63  }
0x9a: {  	s24 =	simm.s32 $0xB28;
	s26 =	simm.s32 $0xB98;
	s0 =	simm.s32 $0xF980  }
0x9b: {  	[tilespmem:s23], [sflag:$0x1] =	stream.indirect.gather [hbm4b:s3+s12], $0x40, s16, s12, $0xb8;
	[tilespmem:$0x19C00] =	vst v63  }
0x9c: {  	s1 =	simm.s32 $0x8900;
	s4 =	simm.s32 $0x10600;
	s23 =	simm.s32 $0xAF0  }
0x9d: {  	[tilespmem:s25], [sflag:$0x1] =	stream.indirect.gather [hbm4b:s3+s12], $0x40, s23, s12, $0xb8;
	[tilespmem:$0x19C00] =	vst v63  }
0x9e: {  	s6 =	simm.s32 $0x11280;
	s7 =	simm.s32 $0x11F00;
	s8 =	simm.s32 $0x12B80  }
0x9f: {  	[tilespmem:s28], [sflag:$0x1] =	stream.indirect.gather [hbm4b:s3+s12], $0x40, s24, s12, $0xb8;
	[tilespmem:$0x19C00] =	vst v63  }
0xa0: {  	s30 =	simm.s32 $0xBD0;
	s9 =	simm.s32 $0x14480;
	s25 =	simm.s32 $0xB60  }
0xa1: {  	[tilespmem:s14], [sflag:$0x1] =	stream.indirect.gather [hbm4b:s3+s12], $0x40, s25, s12, $0xb8;
	[tilespmem:$0x19C00] =	vst v63  }
0xa2: {  	s13 =	simm.s32 $0x15D80;
	s31 =	simm.s32 $0x15100;
	s16 =	simm.s32 $0xD400  }
0xa3: {  	[tilespmem:s18], [sflag:$0x1] =	stream.indirect.gather [hbm4b:s3+s12], $0x40, s26, s12, $0xb8;
	[tilespmem:$0x19C00] =	vst v63  }
0xa4: {  	s23 =	simm.s32 $0xC08;
	s24 =	simm.s32 $0xED00;
	s28 =	simm.s32 $0x7C80  }
0xa5: {  	[tilespmem:s22], [sflag:$0x1] =	stream.indirect.gather [hbm4b:s3+s12], $0x40, s30, s12, $0xb8;
	[tilespmem:$0x19C00] =	vst v63  }
0xa6: {  	s26 =	simm.s32 $0xBB00;
	s18 =	simm.s32 $0xA200;
	s22 =	simm.s32 $0xAE80  }
.LBB2_2:
0xa7: {  	s25 =	simm.s32 $0xC780  }
0xa8: {  	[tilespmem:s25], [sflag:$0x1] =	stream.indirect.gather [hbm4b:s3+s12], $0x40, s23, s12, $0xb8;
	[tilespmem:$0x19C00] =	vst v63  }
0xa9: {  	s23 =	smov.u32 s19  }
0xaa: {  	p0 =	sne.s32 s19, $0x18F00;
	s19 =	sadd.s32 $0x1500, s19;
	_ =	swait.ge [sflag:s10], $0x6400  }
0xab: {  	[sflag:s10] =	ssyncset.done $0x0  }
0xac: {  	[sflag:s10] =	ssyncadd.s32 $0xFFFF9C00  }
0xad: {  	[hbm4b:s21+s2] =	stream.linear.scatter [tilespmem:s29], [sflag:$0x6], $0x6400, $0x38;
	[tilespmem:$0x19C00] =	vst v63  }
0xae: {  	_ =	swait.ge [sflag:s15], $0x6400  }
0xaf: {  	s23 =	sshra.s32 s23, $0x2;
	[sflag:s15] =	ssyncset.done $0x0  }
0xb0: {  	s25 =	sadd.s32 $0x700, s23;
	[sflag:s15] =	ssyncadd.s32 $0xFFFF9C00  }
0xb1: {  	[tilespmem:s16], [sflag:$0x2] =	stream.indirect.gather [hbm4b:s3+s12], $0x40, s25, s12, $0xb8;
	[tilespmem:$0x19C00] =	vst v63  }
0xb2: {  	s14 =	simm.s32 $0xE080;
	s25 =	sadd.s32 $0x738, s23  }
0xb3: {  	[tilespmem:s14], [sflag:$0x2] =	stream.indirect.gather [hbm4b:s3+s12], $0x40, s25, s12, $0xb8;
	[tilespmem:$0x19C00] =	vst v63  }
0xb4: {  	s25 =	sadd.s32 $0x770, s23  }
0xb5: {  	[tilespmem:s24], [sflag:$0x2] =	stream.indirect.gather [hbm4b:s3+s12], $0x40, s25, s12, $0xb8;
	[tilespmem:$0x19C00] =	vst v63  }
0xb6: {  	s25 =	sadd.s32 $0x7A8, s23  }
0xb7: {  	[tilespmem:s0], [sflag:$0x2] =	stream.indirect.gather [hbm4b:s3+s12], $0x40, s25, s12, $0xb8;
	[tilespmem:$0x19C00] =	vst v63  }
0xb8: {  	s25 =	sadd.s32 $0x7E0, s23  }
0xb9: {  	[tilespmem:s4], [sflag:$0x2] =	stream.indirect.gather [hbm4b:s3+s12], $0x40, s25, s12, $0xb8;
	[tilespmem:$0x19C00] =	vst v63  }
0xba: {  	s25 =	sadd.s32 $0x818, s23  }
0xbb: {  	[tilespmem:s6], [sflag:$0x2] =	stream.indirect.gather [hbm4b:s3+s12], $0x40, s25, s12, $0xb8;
	[tilespmem:$0x19C00] =	vst v63  }
0xbc: {  	s25 =	sadd.s32 $0x850, s23  }
0xbd: {  	[tilespmem:s7], [sflag:$0x2] =	stream.indirect.gather [hbm4b:s3+s12], $0x40, s25, s12, $0xb8;
	[tilespmem:$0x19C00] =	vst v63  }
0xbe: {  	s25 =	sadd.s32 $0x888, s23  }
0xbf: {  	[tilespmem:s8], [sflag:$0x2] =	stream.indirect.gather [hbm4b:s3+s12], $0x40, s25, s12, $0xb8;
	[tilespmem:$0x19C00] =	vst v63  }
0xc0: {  	_ =	swait.ge [sflag:s20], $0x6400  }
0xc1: {  	[sflag:s20] =	ssyncset.done $0x0  }
0xc2: {  	s14 =	simm.s32 $0x7000;
	s25 =	sadd.s32 $0xC80, s21;
	[sflag:s20] =	ssyncadd.s32 $0xFFFF9C00  }
0xc3: {  	[hbm4b:s25+s2] =	stream.linear.scatter [tilespmem:s14], [sflag:$0x4], $0x6400, $0x38;
	[tilespmem:$0x19C00] =	vst v63  }
0xc4: {  	_ =	swait.ge [sflag:s17], $0x6400  }
0xc5: {  	[sflag:s17] =	ssyncset.done $0x0  }
0xc6: {  	s25 =	sadd.s32 $0x8C0, s23;
	[sflag:s17] =	ssyncadd.s32 $0xFFFF9C00  }
0xc7: {  	[tilespmem:s29], [sflag:$0x3] =	stream.indirect.gather [hbm4b:s3+s12], $0x40, s25, s12, $0xb8;
	[tilespmem:$0x19C00] =	vst v63  }
0xc8: {  	s25 =	sadd.s32 $0x8F8, s23  }
0xc9: {  	[tilespmem:s9], [sflag:$0x3] =	stream.indirect.gather [hbm4b:s3+s12], $0x40, s25, s12, $0xb8;
	[tilespmem:$0x19C00] =	vst v63  }
0xca: {  	s25 =	sadd.s32 $0x930, s23  }
0xcb: {  	[tilespmem:s31], [sflag:$0x3] =	stream.indirect.gather [hbm4b:s3+s12], $0x40, s25, s12, $0xb8;
	[tilespmem:$0x19C00] =	vst v63  }
0xcc: {  	s25 =	sadd.s32 $0x968, s23  }
0xcd: {  	[tilespmem:s13], [sflag:$0x3] =	stream.indirect.gather [hbm4b:s3+s12], $0x40, s25, s12, $0xb8;
	[tilespmem:$0x19C00] =	vst v63  }
0xce: {  	s30 =	simm.s32 $0x16A00;
	s25 =	sadd.s32 $0x9A0, s23  }
0xcf: {  	[tilespmem:s30], [sflag:$0x3] =	stream.indirect.gather [hbm4b:s3+s12], $0x40, s25, s12, $0xb8;
	[tilespmem:$0x19C00] =	vst v63  }
0xd0: {  	s25 =	sadd.s32 $0x9D8, s23;
	s30 =	simm.s32 $0x17680  }
0xd1: {  	[tilespmem:s30], [sflag:$0x3] =	stream.indirect.gather [hbm4b:s3+s12], $0x40, s25, s12, $0xb8;
	[tilespmem:$0x19C00] =	vst v63  }
0xd2: {  	s25 =	sadd.s32 $0xA10, s23;
	s30 =	simm.s32 $0x18300  }
0xd3: {  	[tilespmem:s30], [sflag:$0x3] =	stream.indirect.gather [hbm4b:s3+s12], $0x40, s25, s12, $0xb8;
	[tilespmem:$0x19C00] =	vst v63  }
0xd4: {  	s25 =	sadd.s32 $0xA48, s23;
	s30 =	simm.s32 $0x18F80  }
0xd5: {  	[tilespmem:s30], [sflag:$0x3] =	stream.indirect.gather [hbm4b:s3+s12], $0x40, s25, s12, $0xb8;
	[tilespmem:$0x19C00] =	vst v63  }
0xd6: {  	_ =	swait.ge [sflag:s5], $0x6400  }
0xd7: {  	[sflag:s5] =	ssyncset.done $0x0  }
0xd8: {  	s25 =	sadd.s32 $0x1900, s21;
	[sflag:s5] =	ssyncadd.s32 $0xFFFF9C00  }
0xd9: {  	[hbm4b:s25+s2] =	stream.linear.scatter [tilespmem:s16], [sflag:$0x5], $0x6400, $0x38;
	[tilespmem:$0x19C00] =	vst v63  }
0xda: {  	_ =	swait.ge [sflag:s11], $0x6400  }
0xdb: {  	[sflag:s11] =	ssyncset.done $0x0  }
0xdc: {  	s30 =	simm.s32 $0x7000;
	s25 =	sadd.s32 $0xA80, s23;
	[sflag:s11] =	ssyncadd.s32 $0xFFFF9C00  }
0xdd: {  	[tilespmem:s14], [sflag:$0x1] =	stream.indirect.gather [hbm4b:s3+s12], $0x40, s25, s12, $0xb8;
	[tilespmem:$0x19C00] =	vst v63  }
0xde: {  	s25 =	sadd.s32 $0xAB8, s23  }
0xdf: {  	[tilespmem:s28], [sflag:$0x1] =	stream.indirect.gather [hbm4b:s3+s12], $0x40, s25, s12, $0xb8;
	[tilespmem:$0x19C00] =	vst v63  }
0xe0: {  	s25 =	sadd.s32 $0xAF0, s23  }
0xe1: {  	[tilespmem:s1], [sflag:$0x1] =	stream.indirect.gather [hbm4b:s3+s12], $0x40, s25, s12, $0xb8;
	[tilespmem:$0x19C00] =	vst v63  }
0xe2: {  	s14 =	simm.s32 $0x9580;
	s25 =	sadd.s32 $0xB28, s23  }
0xe3: {  	[tilespmem:s14], [sflag:$0x1] =	stream.indirect.gather [hbm4b:s3+s12], $0x40, s25, s12, $0xb8;
	[tilespmem:$0x19C00] =	vst v63  }
0xe4: {  	s25 =	sadd.s32 $0xB60, s23  }
0xe5: {  	[tilespmem:s18], [sflag:$0x1] =	stream.indirect.gather [hbm4b:s3+s12], $0x40, s25, s12, $0xb8;
	[tilespmem:$0x19C00] =	vst v63  }
.Ltmp0:
0xe6: {  	s25 =	sadd.s32 $0xB98, s23;
	(pc) =	sbr.rel @p0 .LBB2_2-.Ltmp0, $4  }
0xe7: {  	[tilespmem:s22], [sflag:$0x1] =	stream.indirect.gather [hbm4b:s3+s12], $0x40, s25, s12, $0xb8;
	[tilespmem:$0x19C00] =	vst v63  }
0xe8: {  	s25 =	sadd.s32 $0xBD0, s23  }
0xe9: {  	[tilespmem:s26], [sflag:$0x1] =	stream.indirect.gather [hbm4b:s3+s12], $0x40, s25, s12, $0xb8;
	[tilespmem:$0x19C00] =	vst v63  }
0xea: {  	s21 =	sadd.s32 $0x2580, s21;
	s23 =	sadd.s32 $0xC08, s23  }
0xeb: {  	s0 =	simm.s32 $0xC780  }
0xec: {  	[tilespmem:s0], [sflag:$0x1] =	stream.indirect.gather [hbm4b:s3+s12], $0x40, s23, s12, $0xb8;
	[tilespmem:$0x19C00] =	vst v63  }
0xed: {  	_ =	swait.ge [sflag:s10], $0x6400  }
0xee: {  	[sflag:s10] =	ssyncset.done $0x0  }
0xef: {  	s19 =	rddreg [dreg:$0x6];
	[sflag:s10] =	ssyncadd.s32 $0xFFFF9C00  }
0xf0: {  	[hbm4b:s19+s2] =	stream.linear.scatter [tilespmem:s29], [sflag:$0x6], $0x6400, $0x38;
	[tilespmem:$0x19C00] =	vst v63  }
0xf1: {  	_ =	swait.ge [sflag:s15], $0x6400  }
0xf2: {  	[sflag:s15] =	ssyncset.done $0x0  }
0xf3: {  	[sflag:s15] =	ssyncadd.s32 $0xFFFF9C00  }
0xf4: {  	_ =	swait.ge [sflag:s20], $0x6400  }
0xf5: {  	[sflag:s20] =	ssyncset.done $0x0  }
0xf6: {  	s26 =	rddreg [dreg:$0x7];
	[sflag:s20] =	ssyncadd.s32 $0xFFFF9C00  }
0xf7: {  	[hbm4b:s26+s2] =	stream.linear.scatter [tilespmem:s30], [sflag:$0x4], $0x6400, $0x38;
	[tilespmem:$0x19C00] =	vst v63  }
0xf8: {  	_ =	swait.ge [sflag:s17], $0x6400  }
0xf9: {  	[sflag:s17] =	ssyncset.done $0x0  }
0xfa: {  	[sflag:s17] =	ssyncadd.s32 $0xFFFF9C00  }
0xfb: {  	_ =	swait.ge [sflag:s11], $0x6400  }
0xfc: {  	s25 =	simm.s32 $0x8900;
	s28 =	simm.s32 $0x9580;
	s1 =	rddreg [dreg:$0xa]  }
0xfd: {  	s14 =	simm.s32 $0xA200;
	s31 =	rddreg [dreg:$0x8];
	s1 =	sadd.s32 $0x1, s1  }
0xfe: {  	s18 =	simm.s32 $0xAE80;
	s22 =	simm.s32 $0xBB00;
	p0 =	sne.s32 s1, s31  }
.Ltmp1:
0xff: {  	s16 =	simm.s32 $0xE080;
	s24 =	simm.s32 $0xED00;
	(pc) =	sbr.rel @p0 .LBB2_1-.Ltmp1, $4  }
0x100: {  	s4 =	simm.s32 $0x10600;
	s6 =	simm.s32 $0x11280;
	s7 =	simm.s32 $0x11F00  }
0x101: {  	s8 =	simm.s32 $0x12B80;
	s9 =	simm.s32 $0x14480;
	s13 =	simm.s32 $0x15D80  }
0x102: {  	s23 =	simm.s32 $0x7C80;
	s0 =	simm.s32 $0xF980;
	[sflag:s11] =	ssyncset.done $0x0  }
0x103: {  	s26 =	simm.s32 $0x15100;
	s30 =	simm.s32 $0xD400;
	[sflag:s11] =	ssyncadd.s32 $0xFFFF9C00  }
0x104: {  	_ =	sfence.sel $0x180000  }
0x105: {  	[bflag:$0x0] =	sbarrier.arrive $0xFFFF  }
0x106: {  	_ =	strace $0x90000047  }
0x107: {  	s0 =	stileid.u32;
	[bflag:$0x2] =	sbarrier.arrive $0xFFFF  }
0x108: {  	p0 =	sne.s32 s0, $0x0;
	s0 =	rddreg [dreg:$0x2]  }
0x109: {  	s0 =	sadd.s32 @!p0 $0x100000, s0  }
0x10a: {  	[sflag:s0] =	ssyncadd.tile.s32 @!p0 $0x1;
	_ =	shalt  }
.Lfunc_end2:
_tile_overlayer_lowered:
.L_overlay_start_2:
0x10b: {  	(tag) =	ssettag $0x2  }
0x10c: {  	s0 =	rddreg [dreg:$0x0];
	s2 =	stileid.u32  }
0x10d: {  	s1 =	rddreg [dreg:$0x1];
	p0 =	sne.s32 s2, $0x0  }
0x10e: {  	s3 =	rddreg [dreg:$0x2];
	[bflag:$0x3] =	sbarrier.arrive $0xFFFF;
	s2 =	simm.s32 @!p0 $0x1C07  }
0x10f: {  	[timem:s3], [sflag:s2] =	dma.local @!p0 [hbm:s0], s1  }
0x110: {  	s0 =	simm.s32 @!p0 $0x7  }
0x111: {  	_ =	swait.ge @!p0 [sflag:s0], s1  }
0x112: {  	s1 =	ssub.s32 @!p0 $0x0, s1;
	[sflag:s0] =	ssyncset.done @!p0 $0x0  }
0x113: {  	[sflag:s0] =	ssyncadd.s32 @!p0 s1  }
0x114: {  	[bflag:$0x3] =	sbarrier.arrive $0xFFFF  }
0x115: {  	_ =	shalt  }

// kernel: sparse-core-data-format-call.cloned.1.call-start
scs
called_computation_lowered:
.L_overlay_start_0:
0x0: {  	s2 =	sld [smem:$0x3FD9]  }
0x1: {  	s3 =	sld [smem:$0x3FFE];
	_ =	sdelay $0x1  }
0x2: {  	s1 =	srdreg.scid  }
0x3: {  	s0 =	sand.u32 $0x1, s1  }
0x4: {  	s18 =	sshll.u32 s0, $0xA;
	s2 =	sadd.s32 s3, s2  }
0x5: {  	s2 =	sadd.s32 s2, s18  }
0x6: {  	[smem:$0x3FC6] =	sst s2  }
0x7: {  	_ = 	snop  }
0x8: {  	s2 =	sld [smem:$0x3FD0];
	(tm) =	ssettm $0x1  }
0x9: {  	s19 =	sld [smem:$0x3FFB];
	_ =	sdelay $0x3  }
0xa: {  	_ =	strace s19  }
0xb: {  	s3 =	sld [smem:$0x3FFC];
	_ =	sdelay $0x3  }
0xc: {  	_ =	strace s3  }
0xd: {  	s3 =	sld [smem:$0x3FFD];
	_ =	sdelay $0x3  }
0xe: {  	_ =	strace s3  }
0xf: {  	_ =	strace $0x8FFFFFFF  }
0x10: {  	s20 =	sld [smem:$0x3FDB];
	_ =	sdelay $0x1  }
0x11: {  	s4 =	simm.s32 $_scs_section_size  }
0x12: {  	s5 =	simm.s32 $_size__tile_overlayer_lowered;
	s6 =	simm.s32 $_tile_overlayer_lowered  }
0x13: {  	s23 =	simm.s32 $0x1BFF;
	s22 =	sshll.u32 s6, $0x1;
	s3 =	sadd.s32 s4, s20  }
0x14: {  	s7 =	simm.s32 $0x0;
	s21 =	sshll.u32 s5, $0x1;
	s5 =	sadd.s32 s22, s3  }
0x15: {  	[timem:s7], [sflag:s23] =	dma.local [hbm:s5], s21  }
0x16: {  	_ =	swait.ge [sflag:s23], s21  }
0x17: {  	s4 =	ssub.s32 $0x0, s21;
	[sflag:s23] =	ssyncset.done $0x0  }
0x18: {  	[sflag:s23] =	ssyncadd.s32 s4;
	_ =	sdelay $0x1  }
0x19: {  	s24 =	simm.s32 $0x1B8B  }
0x1a: {  	_ =	swait.ge [sflag:s24], $0x1  }
0x1b: {  	[sflag:s24] =	ssyncset.done $0x0  }
0x1c: {  	s26 =	simm.s32 $0x1B8E;
	s25 =	sld [smem:$0x3FFE];
	[sflag:s24] =	ssyncadd.s32 $0xFFFFFFFF  }
0x1d: {  	s27 =	simm.s32 $execute0_lowered;
	[smem:$0x3FD2] =	sst s26  }
0x1e: {  	s5 =	sshll.u32 s27, $0x1;
	_ =	strace $0x80000049;
	[dreg:$0x1] =	wrdreg $0xFFFFFFFF  }
0x1f: {  	s28 =	simm.s32 $_size_execute0_lowered;
	s3 =	sadd.s32 s3, s5;
	[dreg:$0x0] =	wrdreg $0x0  }
0x20: {  	s5 =	sshll.u32 s28, $0x1;
	[dreg:$0x2] =	wrdreg s3  }
0x21: {  	[dreg:$0x3] =	wrdreg s5  }
0x22: {  	[dreg:$0x4] =	wrdreg $0xC0  }
0x23: {  	_ =	task [dreg:s7], $0x5FFFF  }
0x24: {  	[dreg:$0x1] =	wrdreg $0xFFFFFFFF  }
0x25: {  	[dreg:$0x0] =	wrdreg $0x60  }
0x26: {  	[dreg:$0x2] =	wrdreg s25  }
0x27: {  	[dreg:$0x3] =	wrdreg s2  }
0x28: {  	[dreg:$0x4] =	wrdreg $0x9  }
0x29: {  	_ =	task.clear_ibuf [dreg:s7], $0x5FFFF;
	_ =	strace $0x90000049  }
0x2a: {  	s29 =	simm.s32 $0x9;
	_ =	strace $0x8000004B  }
0x2b: {  	_ =	swait.ge [sflag:s29], $0x1  }
0x2c: {  	[sflag:s29] =	ssyncadd.s32 $0xFFFFFFFF  }
0x2d: {  	_ =	strace $0x9000004B  }
0x2e: {  	_ =	sfence  }
0x2f: {  	s30 =	sld [smem:$0x0];
	_ =	sdelay $0x2  }
0x30: {  	s31 =	sshll.u32 s1, $0xD;
	s1 =	sshrl.u32 s1, $0x2  }
0x31: {  	s3 =	sand.u32 $0x4000, s31;
	s1 =	sadd.s32 s1, s30  }
0x32: {  	s0 =	sor.u32 s3, s0;
	s1 =	sshll.u32 s1, $0x11  }
0x33: {  	s0 =	sor.u32 s1, s0  }
0x34: {  	s0 =	sadd.s32 $0x8F2B, s0  }
0x35: {  	[sflag:s0] =	ssyncadd.remote.s32 $0x1  }
0x36: {  	_ =	sfence.sel $0xFFFF  }
0x37: {  	[dreg:$0x0] =	wrdreg $0xFFFFFFFF;
	(pc) =	sbr.abs _section_cstart, $3  }
0x38: {  	[dreg:$0x1] =	wrdreg $0xFFFFFFFF  }
0x39: {  	_ =	task.clear_ibuf [dreg:s7], $0x2FFFF;
	_ =	strace $0x9FFFFFFF  }
0x3a: {  	(tm) =	ssettm $0x7FFFFFFF  }
0x3b: {  	_ =	shalt  }
tec
execute0_lowered:
.L_overlay_start_1:
0x0: {  	(tag) =	ssettag $0x1  }
0x1: {  	s0 =	srdreg.scid  }
0x2: {  	s1 =	sshll.u32 s0, $0x4  }
0x3: {  	s0 =	stileid.u32;
	s1 =	sand.u32 $0x10, s1  }
0x4: {  	s1 =	sor.u32 s0, s1  }
0x5: {  	s6 =	rddreg [dreg:$0x0];
	s4 =	simm.s32 $0x1;
	s2 =	sshll.u32 s1, $0x7  }
0x6: {  	s7 =	simm.s32 $0x2;
	s12 =	simm.s32 $0x0;
	s1 =	ssub.s32 $0x4000, s2  }
0x7: {  	s8 =	simm.s32 $0x20000;
	s13 =	simm.s32 $0x0;
	s3 =	sand.u32 $0xF80, s1  }
0x8: {  	s9 =	simm.s32 $0x0;
	s5 =	sshrl.u32 s1, $0xC;
	p0 =	sne.s32 s3, $0x0  }
.Ltmp0:
0x9: {  	s1 =	rddreg [dreg:$0x2];
	s4 =	simm.s32 @!p0 $0x0;
	(pc) =	sbr.rel .LBB1_1-.Ltmp0, $4  }
0xa: {  	s11 =	simm.s32 $0x0;
	s3 =	rddreg [dreg:$0x1];
	s5 =	sadd.s32 s4, s5  }
0xb: {  	_ =	strace $0x8000004A;
	s4 =	simm.s32 $0x1;
	s5 =	smul.u32 $0x32, s5  }
0xc: {  	s6 =	sadd.s32 $0xA00, s6;
	s10 =	smov.u32 s2;
	[sflag:s4] =	ssyncpa.u1 $0x0  }
0xd: {  	p0 =	por $0x0, $0x0;
	[sflag:s7] =	ssyncpa.u1 $0x0;
	s7 =	sor.u32 $0x1, s5  }
.LBB1_4:
0xe: {  	s16 =	sshll.u32 s13, $0x3;
	s17 =	sand.u32 $0x78, s13  }
0xf: {  	s30 =	sand.u32 $0x1F800, s13;
	s12 =	sshll.u32 s12, $0x11;
	s16 =	sand.u32 $0x3C00, s16  }
0x10: {  	[tilespmem:s15+$0x810 ss:$0x81] =	vst.msk $0xffff, v2;
	s31 =	sand.u32 $0x7, s13;
	s16 =	sor.u32 s17, s16;
	s17 =	sadd.s32 s3, s30  }
0x11: {  	[tilespmem:s15+$0x1020 ss:$0x81] =	vst.msk $0xffff, v0;
	s13 =	sshll.u32 s31, $0x12;
	s12 =	sadd.s32 s12, s17;
	s16 =	sshrl.u32 s16, $0x3  }
0x12: {  	[tilespmem:s15+$0x0 ss:$0x81] =	vst.msk $0xffff, v1;
	s13 =	sor.u32 $0x400, s13;
	s12 =	sadd.s32 s16, s12  }
0x13: {  	[hbm4b:s12+s13] =	stream.strided.scatter [tilespmem:s14], [sflag:$0x2], $0x2000, s8, s13, $0x20;
	[tilespmem:$0x8080] =	vst v63  }
.LBB1_5:
0x14: {  	s14 =	sadd.s32 $0x1, s9  }
0x15: {  	s12 =	sadd.s32 $0x1000, s10;
	s16 =	smov.u32 s10;
	p2 =	sgt.s32 s14, $0x31  }
0x16: {  	s16 =	smov.u32 @p2 s12  }
0x17: {  	s14 =	simm.s32 @p2 $0x0;
	p2 =	sgt.s32 s16, $0x3FFF  }
0x18: {  	s16 =	smov.u32 @p2 s2;
	p2 =	sne.s32 s11, s7  }
.Ltmp1:
0x19: {  	p1 =	slt.u32 s11, $0x2;
	(pc) =	sbr.rel @!p2 .LBB1_6-.Ltmp1, $4  }
0x1a: {  	s15 =	simm.s32 @!p1 $0x2  }
0x1b: {  	s13 =	smov.u32 s10;
	p0 =	por !p0, !p0;
	_ =	swait.ge @!p1 [sflag:s15], $0x2000  }
0x1c: {  	s12 =	smov.u32 s9;
	[sflag:s15] =	ssyncset.done @!p1 $0x0;
	s9 =	smov.u32 s14  }
0x1d: {  	s11 =	sadd.s32 $0x1, s11;
	[sflag:s15] =	ssyncadd.s32 @!p1 $0xFFFFE000;
	s10 =	smov.u32 s16  }
.LBB1_1:
0x1e: {  	p1 =	sge.u32 s11, s5  }
0x1f: {  	s14 =	sand.u32 @!p1 $0x1FFFFFF, s9  }
0x20: {  	s15 =	smulhi.u32 @!p1 $0x4924925, s14;
	_ =	sdelay $0x1  }
0x21: {  	s15 =	smul.u32 @!p1 $0x38, s15  }
0x22: {  	s16 =	sxor.u32 @!p1 $0xFFFFFFFF, s11;
	s17 =	smul.u32 @!p1 $0x380, s10  }
0x23: {  	s31 =	sadd.s32 $0xFFFFFFFF, s11;
	s16 =	sshll.u32 @!p1 s16, $0xD;
	s14 =	ssub.s32 @!p1 s14, s15  }
0x24: {  	s15 =	sand.u32 @!p1 $0x2000, s16;
	s16 =	sadd.s32 @!p1 s6, s17;
	s14 =	sshll.u32 @!p1 s14, $0x4  }
0x25: {  	s17 =	simm.s32 @!p1 $0x1C00;
	s14 =	sadd.s32 @!p1 s14, s16;
	s16 =	simm.s32 @!p1 $0x40  }
0x26: {  	[tilespmem:s15], [sflag:$0x1] =	stream.strided.gather @!p1 [hbm4b:s14+s16], $0x2000, s17, s16, $0x38;
	[tilespmem:$0x8080] =	vst v63  }
0x27: {  	p1 =	sge.u32 s31, s5  }
.Ltmp2:
0x28: {  	_ = 	snop;
	(pc) =	sbr.rel @p1 .LBB1_5-.Ltmp2, $1  }
0x29: {  	_ =	sdelay $0x3  }
0x2a: {  	s14 =	simm.s32 $0x1  }
0x2b: {  	_ =	swait.ge [sflag:s4], $0x2000;
	s14 =	simm.s32 @!p0 $0x0  }
0x2c: {  	[sflag:s4] =	ssyncset.done $0x0;
	s15 =	sshll.u32 s14, $0xD  }
0x2d: {  	[sflag:s4] =	ssyncadd.s32 $0xFFFFE000;
	s18 =	sor.u32 $0x20, s15  }
0x2e: {  	s14 =	smul.u32 $0x8100, s14;
	v3 =	vld [tilespmem:s18+$0x10]  }
0x2f: {  	s30 =	sand.u32 $0x1, s11;
	v2 =	vld [tilespmem:s18+$0xFFFFFFF0]  }
0x30: {  	s15 =	smul.u32 $0x8100, s30;
	s14 =	sshrl.u32 s14, $0x2;
	v0 =	vld [tilespmem:s18+$0x0]  }
0x31: {  	v1 =	vld [tilespmem:s18+$0xFFFFFFE0];
	s16 =	sor.u32 $0x4000, s14  }
0x32: {  	s31 =	sshrl.u32 s15, $0x2;
	s15 =	sadd.s32 $0x0, s16  }
0x33: {  	s17 =	simm.s32 $0x4;
	s18 =	sadd.s32 $0x40, s18;
	s14 =	sor.u32 $0x4000, s31;
	[tilespmem:s15+$0x1830 ss:$0x81] =	vst.msk $0xffff, v3  }
.LBB1_3:
0x34: {  	v3 =	vld [tilespmem:s18+$0x10];
	p1 =	sne.s32 s17, $0x1FC;
	[tilespmem:s15+$0x810 ss:$0x81] =	vst.msk $0xffff, v2;
	s19 =	smov.u32 s17;
	s17 =	sadd.s32 $0x4, s17  }
.Ltmp3:
0x35: {  	v2 =	vld [tilespmem:s18+$0xFFFFFFF0];
	[tilespmem:s15+$0x1020 ss:$0x81] =	vst.msk $0xffff, v0;
	(pc) =	sbr.rel @p1 .LBB1_3-.Ltmp3, $4  }
0x36: {  	v0 =	vld [tilespmem:s18+$0x0];
	[tilespmem:s15+$0x0 ss:$0x81] =	vst.msk $0xffff, v1  }
0x37: {  	s15 =	sshra.s32 s19, $0x2;
	v1 =	vld [tilespmem:s18+$0xFFFFFFE0]  }
0x38: {  	s15 =	sadd.s32 s15, s16  }
0x39: {  	s18 =	sadd.s32 $0x40, s18;
	[tilespmem:s15+$0x1830 ss:$0x81] =	vst.msk $0xffff, v3  }
.Ltmp4:
0x3a: {  	_ = 	snop;
	(pc) =	sbr.rel .LBB1_4-.Ltmp4, $1  }
0x3b: {  	_ =	sdelay $0x3  }
.LBB1_6:
0x3c: {  	_ =	sfence.sel $0x180000  }
0x3d: {  	s2 =	simm.s32 $0x1;
	[bflag:$0x0] =	sbarrier.arrive $0xFFFF  }
0x3e: {  	s31 =	simm.s32 $0x2;
	[sflag:s2] =	ssyncpa.u1 $0x1  }
0x3f: {  	[sflag:s31] =	ssyncpa.u1 $0x1  }
0x40: {  	p0 =	sne.s32 s0, $0x0;
	_ =	strace $0x9000004A  }
0x41: {  	s0 =	sadd.s32 @!p0 $0x100000, s1;
	[bflag:$0x2] =	sbarrier.arrive $0xFFFF  }
0x42: {  	[sflag:s0] =	ssyncadd.tile.s32 @!p0 $0x1;
	_ =	shalt  }
.Lfunc_end1:
_tile_overlayer_lowered:
.L_overlay_start_2:
0x43: {  	(tag) =	ssettag $0x2  }
0x44: {  	s0 =	rddreg [dreg:$0x0];
	s2 =	stileid.u32  }
0x45: {  	s1 =	rddreg [dreg:$0x1];
	p0 =	sne.s32 s2, $0x0  }
0x46: {  	s3 =	rddreg [dreg:$0x2];
	[bflag:$0x3] =	sbarrier.arrive $0xFFFF;
	s2 =	simm.s32 @!p0 $0x1C01  }
0x47: {  	[timem:s3], [sflag:s2] =	dma.local @!p0 [hbm:s0], s1  }
0x48: {  	s0 =	simm.s32 @!p0 $0x1  }
0x49: {  	_ =	swait.ge @!p0 [sflag:s0], s1  }
0x4a: {  	s1 =	ssub.s32 @!p0 $0x0, s1;
	[sflag:s0] =	ssyncset.done @!p0 $0x0  }
0x4b: {  	[sflag:s0] =	ssyncadd.s32 @!p0 s1  }
0x4c: {  	[bflag:$0x3] =	sbarrier.arrive $0xFFFF  }
0x4d: {  	_ =	shalt  }

</sc_bundles>
